<compile_context>
chip_gen: v7x
topology: tpu7x:2x2x1
jax: 0.10.2.dev20260603
libtpu: 0.0.44.dev20260713+nightly
codegen_flags: <defaults>
</compile_context>

<pallas_src>
import functools
import math

import jax
import jax.numpy as jnp
from jax.experimental import pallas as pl

_N_NODES = 10000
_N_PAD = 10240
_BLK = 256
_N_GRAPHS = 64
_HID = 64
_KTAB = [math.ceil(0.11 * n) for n in range(_N_NODES + 1)]


def _conv_body(agg_ref, cnt_ref, x_ref, wr_ref, b_ref, wroot_ref, o_ref, *,
               mean, act):
    agg = agg_ref[...]
    if mean:
        cnt = jnp.maximum(cnt_ref[...], 1.0)
        agg = agg / cnt
    y = (jnp.dot(agg, wr_ref[...], preferred_element_type=jnp.float32)
         + b_ref[...]
         + jnp.dot(x_ref[...], wroot_ref[...],
                   preferred_element_type=jnp.float32))
    if act == "relu":
        y = jnp.maximum(y, 0.0)
    o_ref[...] = y


def _conv_transform(agg, cnt, x, w_rel, b_rel, w_root, mean, act):
    n, din = x.shape
    h = w_rel.shape[1]
    grid = (n // _BLK,)
    return pl.pallas_call(
        functools.partial(_conv_body, mean=mean, act=act),
        grid=grid,
        in_specs=[
            pl.BlockSpec((_BLK, din), lambda i: (i, 0)),
            pl.BlockSpec((_BLK, 1), lambda i: (i, 0)),
            pl.BlockSpec((_BLK, din), lambda i: (i, 0)),
            pl.BlockSpec((din, h), lambda i: (0, 0)),
            pl.BlockSpec((1, h), lambda i: (0, 0)),
            pl.BlockSpec((din, h), lambda i: (0, 0)),
        ],
        out_specs=pl.BlockSpec((_BLK, h), lambda i: (i, 0)),
        out_shape=jax.ShapeDtypeStruct((n, h), jnp.float32),
    )(agg, cnt, x, w_rel, b_rel, w_root)


def _pool_body(ohm_ref, hext_ref, o_ref):
    @pl.when(pl.program_id(0) == 0)
    def _init():
        o_ref[...] = jnp.zeros_like(o_ref)

    o_ref[...] += jax.lax.dot_general(
        ohm_ref[...], hext_ref[...],
        (((0,), (0,)), ((), ())),
        preferred_element_type=jnp.float32)


def _global_pool(ohm, hext):
    n = ohm.shape[0]
    return pl.pallas_call(
        _pool_body,
        grid=(n // _BLK,),
        in_specs=[
            pl.BlockSpec((_BLK, _N_GRAPHS), lambda i: (i, 0)),
            pl.BlockSpec((_BLK, 128), lambda i: (i, 0)),
        ],
        out_specs=pl.BlockSpec((_N_GRAPHS, 128), lambda i: (0, 0)),
        out_shape=jax.ShapeDtypeStruct((_N_GRAPHS, 128), jnp.float32),
    )(ohm, hext)


def _head_body(z_ref, w1_ref, b1_ref, w2_ref, b2_ref, o_ref, *, n_classes):
    z = jnp.maximum(
        jnp.dot(z_ref[...], w1_ref[...], preferred_element_type=jnp.float32)
        + b1_ref[...], 0.0)
    logits = (jnp.dot(z, w2_ref[...], preferred_element_type=jnp.float32)
              + b2_ref[...])
    col = jax.lax.broadcasted_iota(jnp.int32, logits.shape, 1)
    valid = col < n_classes
    neg = jnp.float32(-1e30)
    masked = jnp.where(valid, logits, neg)
    m = jnp.max(masked, axis=1, keepdims=True)
    e = jnp.where(valid, jnp.exp(masked - m), 0.0)
    lse = jnp.log(jnp.sum(e, axis=1, keepdims=True))
    o_ref[...] = masked - m - lse


def _mlp_head(z, w1, b1, w2p, b2p, n_classes):
    g, dz = z.shape
    return pl.pallas_call(
        functools.partial(_head_body, n_classes=n_classes),
        in_specs=[
            pl.BlockSpec((g, dz), lambda: (0, 0)),
            pl.BlockSpec((dz, _HID), lambda: (0, 0)),
            pl.BlockSpec((1, _HID), lambda: (0, 0)),
            pl.BlockSpec((_HID, 128), lambda: (0, 0)),
            pl.BlockSpec((1, 128), lambda: (0, 0)),
        ],
        out_specs=pl.BlockSpec((g, 128), lambda: (0, 0)),
        out_shape=jax.ShapeDtypeStruct((g, 128), jnp.float32),
    )(z, w1, b1, w2p, b2p)


def _spmm_body(a_ref, h_ref, o_ref):
    @pl.when(pl.program_id(1) == 0)
    def _init():
        o_ref[...] = jnp.zeros_like(o_ref)

    o_ref[...] += jnp.dot(a_ref[...], h_ref[...],
                          preferred_element_type=jnp.float32,
                          precision=jax.lax.Precision.HIGHEST)


def _spmm(a0, hext):
    n = a0.shape[0]
    c = hext.shape[1]
    return pl.pallas_call(
        _spmm_body,
        grid=(n // _BLK, n // _BLK),
        in_specs=[
            pl.BlockSpec((_BLK, _BLK), lambda i, j: (i, j)),
            pl.BlockSpec((_BLK, c), lambda i, j: (j, 0)),
        ],
        out_specs=pl.BlockSpec((_BLK, c), lambda i, j: (i, 0)),
        out_shape=jax.ShapeDtypeStruct((n, c), jnp.float32),
    )(a0, hext)


def _message_pass(a0, h, kmask):
    d = h.shape[1]
    c = ((d + 1 + 127) // 128) * 128
    hext = jnp.zeros((_N_PAD, c), jnp.float32)
    hext = hext.at[:, :d].set(h * kmask[:, None]).at[:, d].set(kmask)
    out = _spmm(a0, hext)
    agg = out[:, :d] * kmask[:, None]
    cnt = (out[:, d] * kmask)[:, None]
    return agg, cnt


def _segment(msg, dst, n):
    return jax.ops.segment_sum(msg, dst, num_segments=n)


def _graph_conv(h, a0, kmask, pp, mean, act):
    agg, cnt = _message_pass(a0, h, kmask)
    return _conv_transform(agg, cnt, h, pp['W_rel'], pp['b_rel'][None, :],
                           pp['W_root'], mean, act)


def _mean_pool(h, ohm):
    ones = jnp.ones((_N_PAD, 1), jnp.float32)
    pad = jnp.zeros((_N_PAD, 128 - _HID - 1), jnp.float32)
    hext = jnp.concatenate([h, ones, pad], axis=1)
    out = _global_pool(ohm, hext)
    s = out[:, :_HID]
    cnt = jnp.maximum(out[:, _HID:_HID + 1], 1.0)
    return s / cnt


def _pad_pool_params(pp):
    w_rel = jnp.zeros((_HID, 128), jnp.float32).at[:, :1].set(pp['W_rel'])
    w_root = jnp.zeros((_HID, 128), jnp.float32).at[:, :1].set(pp['W_root'])
    b = jnp.zeros((1, 128), jnp.float32).at[0, :1].set(pp['b_rel'])
    return w_rel, b, w_root


def _sag_pool(h, a0, node_valid, batch, starts, pp):
    w_rel, b, w_root = _pad_pool_params(pp)
    agg, _ = _message_pass(a0, h, node_valid)
    cnt = jnp.zeros((_N_PAD, 1), jnp.float32)
    score = _conv_transform(agg, cnt, h, w_rel, b, w_root, False, "none")[:, 0]

    n = _N_PAD
    nvalid = _segment(node_valid.astype(jnp.int32), batch, _N_GRAPHS)
    k = jnp.asarray(_KTAB, jnp.int32)[nvalid]
    sort_key = jnp.where(node_valid > 0, -score, jnp.inf)
    order = jnp.lexsort((sort_key, batch))
    rank_sorted = jnp.arange(n, dtype=jnp.int32) - starts[batch[order]]
    rank = jnp.zeros((n,), jnp.int32).at[order].set(rank_sorted)
    keep = (node_valid > 0) & (rank < k[batch])
    keep_f = keep.astype(jnp.float32)
    new_h = jnp.where(keep[:, None], h * jnp.tanh(score)[:, None], 0.0)
    return new_h, keep_f


def kernel(x, edge_index, batch, params):
    src = edge_index[0]
    dst = edge_index[1]
    n_pad_rows = _N_PAD - _N_NODES

    xp = jnp.pad(x, ((0, n_pad_rows), (0, 0)))
    batch_p = jnp.concatenate(
        [batch, jnp.full((n_pad_rows,), _N_GRAPHS - 1, jnp.int32)])
    node_valid = jnp.concatenate(
        [jnp.ones((_N_NODES,), jnp.float32),
         jnp.zeros((n_pad_rows,), jnp.float32)])

    a0 = jnp.zeros((_N_PAD, _N_PAD), jnp.float32).at[dst, src].add(1.0)

    ones_i = jnp.ones((_N_PAD,), jnp.int32)
    total = _segment(ones_i, batch_p, _N_GRAPHS)
    starts = jnp.cumsum(total) - total

    oh = (batch_p[:, None] == jnp.arange(_N_GRAPHS)[None, :]).astype(
        jnp.float32)

    n_layers = 6
    h = _graph_conv(xp, a0, node_valid, params['conv1'], True, "relu")
    ohm = oh * node_valid[:, None]
    xs = [_mean_pool(h, ohm)]
    pool_i = 0
    n_convs = n_layers - 1
    for i in range(n_convs):
        h = _graph_conv(h, a0, node_valid, params['convs'][i], True, "relu")
        xs.append(_mean_pool(h, ohm))
        if i % 2 == 0 and i < n_convs - 1:
            h, node_valid = _sag_pool(
                h, a0, node_valid, batch_p, starts, params['pools'][pool_i])
            ohm = oh * node_valid[:, None]
            pool_i += 1

    z = jnp.concatenate(xs, axis=1)
    n_classes = params['lin2_W'].shape[1]
    w2p = jnp.zeros((_HID, 128), jnp.float32).at[:, :n_classes].set(
        params['lin2_W'])
    b2p = jnp.zeros((1, 128), jnp.float32).at[0, :n_classes].set(
        params['lin2_b'])
    out = _mlp_head(z, params['lin1_W'], params['lin1_b'][None, :],
                    w2p, b2p, n_classes)
    return out[:, :n_classes]

# --- scband reference (transcript-rebuilt; emitter-appended) ---
"""Pipeline reference for scband-sagpool-22514218566433 (READ-ONLY COPY).

The authoritative reference and input builder live on the scoring server;
editing this copy changes nothing except your own understanding.
"""

import math
import jax, jax.numpy as jnp
import numpy as np

NUM_NODES = 10000
NUM_EDGES = 320000
D_IN = 160
HIDDEN = 64
NUM_GRAPHS = 64
NUM_LAYERS = 6
RATIO = 0.11
NUM_CLASSES = 2

_K_TABLE = np.array([math.ceil(RATIO * n) for n in range(NUM_NODES + 1)], dtype=np.int32)


def _glorot(key, shape):
    lim = math.sqrt(6.0 / (shape[0] + shape[1]))
    return jax.random.uniform(key, shape, jnp.float32, -lim, lim)


def make_params(key):
    ks = jax.random.split(key, 40)
    p = {}
    p['conv1'] = {'W_rel': _glorot(ks[0], (D_IN, HIDDEN)), 'b_rel': jnp.zeros((HIDDEN,), jnp.float32), 'W_root': _glorot(ks[1], (D_IN, HIDDEN))}
    convs = []
    for l in range(NUM_LAYERS - 1):
        convs.append({'W_rel': _glorot(ks[2 + 2 * l], (HIDDEN, HIDDEN)), 'b_rel': jnp.zeros((HIDDEN,), jnp.float32), 'W_root': _glorot(ks[3 + 2 * l], (HIDDEN, HIDDEN))})
    p['convs'] = convs
    pools = []
    for l in range(NUM_LAYERS // 2):
        pools.append({'W_rel': _glorot(ks[14 + 2 * l], (HIDDEN, 1)), 'b_rel': jnp.zeros((1,), jnp.float32), 'W_root': _glorot(ks[15 + 2 * l], (HIDDEN, 1))})
    p['pools'] = pools
    p['lin1_W'] = _glorot(ks[30], (NUM_LAYERS * HIDDEN, HIDDEN))
    p['lin1_b'] = jnp.zeros((HIDDEN,), jnp.float32)
    p['lin2_W'] = _glorot(ks[31], (HIDDEN, NUM_CLASSES))
    p['lin2_b'] = jnp.zeros((NUM_CLASSES,), jnp.float32)
    return p


def setup_inputs(seed: int = 0):
    key = jax.random.key(seed)
    kx, ke, kb, kp = jax.random.split(key, 4)
    x = jax.random.normal(kx, (NUM_NODES, D_IN), dtype=jnp.float32)
    edge_index = jax.random.randint(ke, (2, NUM_EDGES), 0, NUM_NODES, dtype=jnp.int32)
    batch = jnp.sort(jax.random.randint(kb, (NUM_NODES,), 0, NUM_GRAPHS, dtype=jnp.int32))
    params = make_params(kp)
    return {'x': x, 'edge_index': edge_index, 'batch': batch, 'params': params}


def graph_conv(x, src, dst, valid, pp, aggr):
    # PyG GraphConv: lin_rel(aggr_{j->i} x_j) + lin_root(x_i); lin_root has no bias.
    msg = x[src] * valid[:, None]
    agg = jax.ops.segment_sum(msg, dst, num_segments=x.shape[0])
    if aggr == 'mean':
        cnt = jax.ops.segment_sum(valid, dst, num_segments=x.shape[0])
        agg = agg / jnp.maximum(cnt, 1.0)[:, None]
    return agg @ pp['W_rel'] + pp['b_rel'] + x @ pp['W_root']


def global_mean_pool(x, batch, node_valid):
    s = jax.ops.segment_sum(x * node_valid[:, None], batch, num_segments=NUM_GRAPHS)
    cnt = jnp.maximum(jax.ops.segment_sum(node_valid, batch, num_segments=NUM_GRAPHS), 1.0)
    return s / cnt[:, None]


def sag_pool(x, src, dst, valid, batch, node_valid, pp):
    # SAGPooling: score via GraphConv (default aggr='add'), per-graph top-ceil(ratio*n),
    # x' = x[perm] * tanh(score[perm]). Nodes and edges are kept as fixed-size masked
    # lists so all shapes stay static (invalid entries contribute nothing via masks).
    score = graph_conv(x, src, dst, valid, pp, 'add')[:, 0]
    N = x.shape[0]
    ones = jnp.ones((N,), jnp.int32)
    total = jax.ops.segment_sum(ones, batch, num_segments=NUM_GRAPHS)
    starts = jnp.cumsum(total) - total
    nvalid = jax.ops.segment_sum(node_valid.astype(jnp.int32), batch, num_segments=NUM_GRAPHS)
    k = jnp.asarray(_K_TABLE)[nvalid]
    sort_key = jnp.where(node_valid > 0, -score, jnp.inf)
    order = jnp.lexsort((sort_key, batch))
    rank_sorted = jnp.arange(N, dtype=jnp.int32) - starts[batch[order]]
    rank = jnp.zeros((N,), jnp.int32).at[order].set(rank_sorted)
    keep = (node_valid > 0) & (rank < k[batch])
    keep_f = keep.astype(jnp.float32)
    new_x = jnp.where(keep[:, None], x * jnp.tanh(score)[:, None], 0.0)
    new_valid = valid * keep_f[src] * keep_f[dst]
    return new_x, new_valid, keep_f


def forward(x, src, dst, batch, params):
    valid = jnp.ones((NUM_EDGES,), jnp.float32)
    node_valid = jnp.ones((NUM_NODES,), jnp.float32)
    h = jax.nn.relu(graph_conv(x, src, dst, valid, params['conv1'], 'mean'))
    xs = [global_mean_pool(h, batch, node_valid)]
    pool_i = 0
    n_convs = NUM_LAYERS - 1
    for i in range(n_convs):
        h = jax.nn.relu(graph_conv(h, src, dst, valid, params['convs'][i], 'mean'))
        xs.append(global_mean_pool(h, batch, node_valid))
        if i % 2 == 0 and i < n_convs - 1:
            h, valid, node_valid = sag_pool(h, src, dst, valid, batch, node_valid, params['pools'][pool_i])
            pool_i += 1
    z = jnp.concatenate(xs, axis=1)
    z = jax.nn.relu(z @ params['lin1_W'] + params['lin1_b'])
    # dropout is identity in eval mode
    z = z @ params['lin2_W'] + params['lin2_b']
    return jax.nn.log_softmax(z, axis=-1)


def reference(x, edge_index, batch, params):
    src = edge_index[0]
    dst = edge_index[1]
    return forward(x, src, dst, batch, params)

if __name__ == "__main__":
    import jax
    _d = setup_inputs()
    print(jax.jit(kernel)(*tuple(_d.values())))

</pallas_src>

<mosaic_0001>
module attributes {stable_mosaic.version = 14 : i64} {
  func.func @_spmm_body(%arg0: i32, %arg1: i32, %arg2: memref<256x256xf32, #tpu.memory_space<vmem>>, %arg3: memref<256x256xf32, #tpu.memory_space<vmem>>, %arg4: memref<256x256xf32, #tpu.memory_space<vmem>>) attributes {dimension_semantics = [#tpu.dimension_semantics<arbitrary>, #tpu.dimension_semantics<arbitrary>], iteration_bounds = array<i64: 40, 40>, scalar_prefetch = 0 : i64, scratch_operands = 0 : i64, tpu.core_type = #tpu.core_type<tc>, window_params = [{transform_indices = @transform_0, window_bounds = array<i64: 256, 256>}, {transform_indices = @transform_1, window_bounds = array<i64: 256, 256>}, {transform_indices = @transform_2, window_bounds = array<i64: 256, 256>}]} {
    %eq3A = arith.constant 0 : i32
    %eq3A_0 = arith.cmpi eq, %arg1, %eq3A : i32
    %convert_element_type3A = arith.extui %eq3A_0 : i1 to i32
    %cond3A = arith.constant 0 : i32
    %cond3A_1 = arith.cmpi ne, %convert_element_type3A, %cond3A : i32
    scf.if %cond3A_1 {
      %broadcast_in_dim3A = arith.constant 0.000000e+00 : f32
      %broadcast_in_dim3A_13 = vector.broadcast %broadcast_in_dim3A : f32 to vector<256x256xf32>
      %swap3A_14 = arith.constant 0 : index
      %swap3A_15 = arith.constant 0 : index
      %swap3A_16 = vector.load %arg4[%swap3A_14, %swap3A_15] : memref<256x256xf32, #tpu.memory_space<vmem>>, vector<256x256xf32>
      tpu.vector_store %arg4[%swap3A_14, %swap3A_15], %broadcast_in_dim3A_13 {strides = array<i32>} : memref<256x256xf32, #tpu.memory_space<vmem>>, vector<256x256xf32>,
    } else {
    }
    %get3A = arith.constant 0 : index
    %get3A_2 = arith.constant 0 : index
    %get3A_3 = vector.load %arg4[%get3A, %get3A_2] : memref<256x256xf32, #tpu.memory_space<vmem>>, vector<256x256xf32>
    %get3A_4 = arith.constant 0 : index
    %get3A_5 = arith.constant 0 : index
    %get3A_6 = vector.load %arg2[%get3A_4, %get3A_5] : memref<256x256xf32, #tpu.memory_space<vmem>>, vector<256x256xf32>
    %get3A_7 = arith.constant 0 : index
    %get3A_8 = arith.constant 0 : index
    %get3A_9 = vector.load %arg3[%get3A_7, %get3A_8] : memref<256x256xf32, #tpu.memory_space<vmem>>, vector<256x256xf32>
    %dot_general3A = arith.constant dense<0.000000e+00> : vector<256x256xf32>
    %dot_general3A_10 = tpu.matmul %get3A_6, %get3A_9, %dot_general3A {dimension_numbers = #tpu.dot_dimension_numbers<[1], [0], [0], [1], [0, 0, 1, 1], [], []>, precision = #tpu.contract_precision<fp32>, transpose_lhs_hint = false} : vector<256x256xf32>, vector<256x256xf32>, vector<256x256xf32> -> vector<256x256xf32>
    %add3A = arith.addf %get3A_3, %dot_general3A_10 : vector<256x256xf32>
    %swap3A = arith.constant 0 : index
    %swap3A_11 = arith.constant 0 : index
    %swap3A_12 = vector.load %arg4[%swap3A, %swap3A_11] : memref<256x256xf32, #tpu.memory_space<vmem>>, vector<256x256xf32>
    tpu.vector_store %arg4[%swap3A, %swap3A_11], %add3A {strides = array<i32>} : memref<256x256xf32, #tpu.memory_space<vmem>>, vector<256x256xf32>,
    return
  }
  func.func @transform_0(%arg0: i32, %arg1: i32) -> (i32, i32) {
    %c0_i32 = arith.constant 0 : i32
    return %arg0, %arg1 : i32, i32
  }
  func.func @transform_1(%arg0: i32, %arg1: i32) -> (i32, i32) {
    %c0_i32 = arith.constant 0 : i32
    %c0_i32_0 = arith.constant 0 : i32
    return %arg1, %c0_i32 : i32, i32
  }
  func.func @transform_2(%arg0: i32, %arg1: i32) -> (i32, i32) {
    %c0_i32 = arith.constant 0 : i32
    %c0_i32_0 = arith.constant 0 : i32
    return %arg0, %c0_i32 : i32, i32
  }
}

module attributes {stable_mosaic.version = 14 : i64} {
  func.func @_conv_body(%arg0: i32, %arg1: memref<256x160xf32, #tpu.memory_space<vmem>>, %arg2: memref<256x1xf32, #tpu.memory_space<vmem>>, %arg3: memref<256x160xf32, #tpu.memory_space<vmem>>, %arg4: memref<160x64xf32, #tpu.memory_space<vmem>>, %arg5: memref<1x64xf32, #tpu.memory_space<vmem>>, %arg6: memref<160x64xf32, #tpu.memory_space<vmem>>, %arg7: memref<256x64xf32, #tpu.memory_space<vmem>>) attributes {dimension_semantics = [#tpu.dimension_semantics<arbitrary>], iteration_bounds = array<i64: 40>, scalar_prefetch = 0 : i64, scratch_operands = 0 : i64, tpu.core_type = #tpu.core_type<tc>, window_params = [{transform_indices = @transform_0, window_bounds = array<i64: 256, 160>}, {transform_indices = @transform_1, window_bounds = array<i64: 256, 1>}, {transform_indices = @transform_2, window_bounds = array<i64: 256, 160>}, {pipeline_mode = #tpu.pipeline_mode<synchronous>, transform_indices = @transform_3, window_bounds = array<i64: 160, 64>}, {pipeline_mode = #tpu.pipeline_mode<synchronous>, transform_indices = @transform_4, window_bounds = array<i64: 1, 64>}, {pipeline_mode = #tpu.pipeline_mode<synchronous>, transform_indices = @transform_5, window_bounds = array<i64: 160, 64>}, {transform_indices = @transform_6, window_bounds = array<i64: 256, 64>}]} {
    %get3A = arith.constant 0 : index
    %get3A_0 = arith.constant 0 : index
    %get3A_1 = vector.load %arg1[%get3A, %get3A_0] : memref<256x160xf32, #tpu.memory_space<vmem>>, vector<256x160xf32>
    %get3A_2 = arith.constant 0 : index
    %get3A_3 = arith.constant 0 : index
    %get3A_4 = vector.load %arg2[%get3A_2, %get3A_3] : memref<256x1xf32, #tpu.memory_space<vmem>>, vector<256x1xf32>
    %max3A = arith.constant 1.000000e+00 : f32
    %max3A_5 = vector.broadcast %max3A : f32 to vector<256x1xf32>
    %max3A_6 = arith.maximumf %get3A_4, %max3A_5 : vector<256x1xf32>
    %div3A = vector.broadcast %max3A_6 : vector<256x1xf32> to vector<256x160xf32>
    %div3A_7 = arith.divf %get3A_1, %div3A : vector<256x160xf32>
    %get3A_8 = arith.constant 0 : index
    %get3A_9 = arith.constant 0 : index
    %get3A_10 = vector.load %arg4[%get3A_8, %get3A_9] : memref<160x64xf32, #tpu.memory_space<vmem>>, vector<160x64xf32>
    %dot_general3A = arith.constant dense<0.000000e+00> : vector<256x64xf32>
    %dot_general3A_11 = tpu.matmul %div3A_7, %get3A_10, %dot_general3A {dimension_numbers = #tpu.dot_dimension_numbers<[1], [0], [0], [1], [0, 0, 1, 1], [], []>, transpose_lhs_hint = false} : vector<256x160xf32>, vector<160x64xf32>, vector<256x64xf32> -> vector<256x64xf32>
    %get3A_12 = arith.constant 0 : index
    %get3A_13 = arith.constant 0 : index
    %get3A_14 = vector.load %arg5[%get3A_12, %get3A_13] : memref<1x64xf32, #tpu.memory_space<vmem>>, vector<1x64xf32>
    %add3A = vector.broadcast %get3A_14 : vector<1x64xf32> to vector<256x64xf32>
    %add3A_15 = arith.addf %dot_general3A_11, %add3A : vector<256x64xf32>
    %get3A_16 = arith.constant 0 : index
    %get3A_17 = arith.constant 0 : index
    %get3A_18 = vector.load %arg3[%get3A_16, %get3A_17] : memref<256x160xf32, #tpu.memory_space<vmem>>, vector<256x160xf32>
    %get3A_19 = arith.constant 0 : index
    %get3A_20 = arith.constant 0 : index
    %get3A_21 = vector.load %arg6[%get3A_19, %get3A_20] : memref<160x64xf32, #tpu.memory_space<vmem>>, vector<160x64xf32>
    %dot_general3A_22 = arith.constant dense<0.000000e+00> : vector<256x64xf32>
    %dot_general3A_23 = tpu.matmul %get3A_18, %get3A_21, %dot_general3A_22 {dimension_numbers = #tpu.dot_dimension_numbers<[1], [0], [0], [1], [0, 0, 1, 1], [], []>, transpose_lhs_hint = false} : vector<256x160xf32>, vector<160x64xf32>, vector<256x64xf32> -> vector<256x64xf32>
    %add3A_24 = arith.addf %add3A_15, %dot_general3A_23 : vector<256x64xf32>
    %max3A_25 = arith.constant 0.000000e+00 : f32
    %max3A_26 = vector.broadcast %max3A_25 : f32 to vector<256x64xf32>
    %max3A_27 = arith.maximumf %add3A_24, %max3A_26 : vector<256x64xf32>
    %swap3A = arith.constant 0 : index
    %swap3A_28 = arith.constant 0 : index
    %swap3A_29 = vector.load %arg7[%swap3A, %swap3A_28] : memref<256x64xf32, #tpu.memory_space<vmem>>, vector<256x64xf32>
    tpu.vector_store %arg7[%swap3A, %swap3A_28], %max3A_27 {strides = array<i32>} : memref<256x64xf32, #tpu.memory_space<vmem>>, vector<256x64xf32>,
    return
  }
  func.func @transform_0(%arg0: i32) -> (i32, i32) {
    %c0_i32 = arith.constant 0 : i32
    %c0_i32_0 = arith.constant 0 : i32
    return %arg0, %c0_i32 : i32, i32
  }
  func.func @transform_1(%arg0: i32) -> (i32, i32) {
    %c0_i32 = arith.constant 0 : i32
    %c0_i32_0 = arith.constant 0 : i32
    return %arg0, %c0_i32 : i32, i32
  }
  func.func @transform_2(%arg0: i32) -> (i32, i32) {
    %c0_i32 = arith.constant 0 : i32
    %c0_i32_0 = arith.constant 0 : i32
    return %arg0, %c0_i32 : i32, i32
  }
  func.func @transform_3(%arg0: i32) -> (i32, i32) {
    %c0_i32 = arith.constant 0 : i32
    %c0_i32_0 = arith.constant 0 : i32
    %c0_i32_1 = arith.constant 0 : i32
    return %c0_i32, %c0_i32_0 : i32, i32
  }
  func.func @transform_4(%arg0: i32) -> (i32, i32) {
    %c0_i32 = arith.constant 0 : i32
    %c0_i32_0 = arith.constant 0 : i32
    %c0_i32_1 = arith.constant 0 : i32
    return %c0_i32, %c0_i32_0 : i32, i32
  }
  func.func @transform_5(%arg0: i32) -> (i32, i32) {
    %c0_i32 = arith.constant 0 : i32
    %c0_i32_0 = arith.constant 0 : i32
    %c0_i32_1 = arith.constant 0 : i32
    return %c0_i32, %c0_i32_0 : i32, i32
  }
  func.func @transform_6(%arg0: i32) -> (i32, i32) {
    %c0_i32 = arith.constant 0 : i32
    %c0_i32_0 = arith.constant 0 : i32
    return %arg0, %c0_i32 : i32, i32
  }
}

module attributes {stable_mosaic.version = 14 : i64} {
  func.func @_spmm_body(%arg0: i32, %arg1: i32, %arg2: memref<256x256xf32, #tpu.memory_space<vmem>>, %arg3: memref<256x128xf32, #tpu.memory_space<vmem>>, %arg4: memref<256x128xf32, #tpu.memory_space<vmem>>) attributes {dimension_semantics = [#tpu.dimension_semantics<arbitrary>, #tpu.dimension_semantics<arbitrary>], iteration_bounds = array<i64: 40, 40>, scalar_prefetch = 0 : i64, scratch_operands = 0 : i64, tpu.core_type = #tpu.core_type<tc>, window_params = [{transform_indices = @transform_0, window_bounds = array<i64: 256, 256>}, {transform_indices = @transform_1, window_bounds = array<i64: 256, 128>}, {transform_indices = @transform_2, window_bounds = array<i64: 256, 128>}]} {
    %eq3A = arith.constant 0 : i32
    %eq3A_0 = arith.cmpi eq, %arg1, %eq3A : i32
    %convert_element_type3A = arith.extui %eq3A_0 : i1 to i32
    %cond3A = arith.constant 0 : i32
    %cond3A_1 = arith.cmpi ne, %convert_element_type3A, %cond3A : i32
    scf.if %cond3A_1 {
      %broadcast_in_dim3A = arith.constant 0.000000e+00 : f32
      %broadcast_in_dim3A_13 = vector.broadcast %broadcast_in_dim3A : f32 to vector<256x128xf32>
      %swap3A_14 = arith.constant 0 : index
      %swap3A_15 = arith.constant 0 : index
      %swap3A_16 = vector.load %arg4[%swap3A_14, %swap3A_15] : memref<256x128xf32, #tpu.memory_space<vmem>>, vector<256x128xf32>
      tpu.vector_store %arg4[%swap3A_14, %swap3A_15], %broadcast_in_dim3A_13 {strides = array<i32>} : memref<256x128xf32, #tpu.memory_space<vmem>>, vector<256x128xf32>,
    } else {
    }
    %get3A = arith.constant 0 : index
    %get3A_2 = arith.constant 0 : index
    %get3A_3 = vector.load %arg4[%get3A, %get3A_2] : memref<256x128xf32, #tpu.memory_space<vmem>>, vector<256x128xf32>
    %get3A_4 = arith.constant 0 : index
    %get3A_5 = arith.constant 0 : index
    %get3A_6 = vector.load %arg2[%get3A_4, %get3A_5] : memref<256x256xf32, #tpu.memory_space<vmem>>, vector<256x256xf32>
    %get3A_7 = arith.constant 0 : index
    %get3A_8 = arith.constant 0 : index
    %get3A_9 = vector.load %arg3[%get3A_7, %get3A_8] : memref<256x128xf32, #tpu.memory_space<vmem>>, vector<256x128xf32>
    %dot_general3A = arith.constant dense<0.000000e+00> : vector<256x128xf32>
    %dot_general3A_10 = tpu.matmul %get3A_6, %get3A_9, %dot_general3A {dimension_numbers = #tpu.dot_dimension_numbers<[1], [0], [0], [1], [0, 0, 1, 1], [], []>, precision = #tpu.contract_precision<fp32>, transpose_lhs_hint = false} : vector<256x256xf32>, vector<256x128xf32>, vector<256x128xf32> -> vector<256x128xf32>
    %add3A = arith.addf %get3A_3, %dot_general3A_10 : vector<256x128xf32>
    %swap3A = arith.constant 0 : index
    %swap3A_11 = arith.constant 0 : index
    %swap3A_12 = vector.load %arg4[%swap3A, %swap3A_11] : memref<256x128xf32, #tpu.memory_space<vmem>>, vector<256x128xf32>
    tpu.vector_store %arg4[%swap3A, %swap3A_11], %add3A {strides = array<i32>} : memref<256x128xf32, #tpu.memory_space<vmem>>, vector<256x128xf32>,
    return
  }
  func.func @transform_0(%arg0: i32, %arg1: i32) -> (i32, i32) {
    %c0_i32 = arith.constant 0 : i32
    return %arg0, %arg1 : i32, i32
  }
  func.func @transform_1(%arg0: i32, %arg1: i32) -> (i32, i32) {
    %c0_i32 = arith.constant 0 : i32
    %c0_i32_0 = arith.constant 0 : i32
    return %arg1, %c0_i32 : i32, i32
  }
  func.func @transform_2(%arg0: i32, %arg1: i32) -> (i32, i32) {
    %c0_i32 = arith.constant 0 : i32
    %c0_i32_0 = arith.constant 0 : i32
    return %arg0, %c0_i32 : i32, i32
  }
}

module attributes {stable_mosaic.version = 14 : i64} {
  func.func @_conv_body(%arg0: i32, %arg1: memref<256x64xf32, #tpu.memory_space<vmem>>, %arg2: memref<256x1xf32, #tpu.memory_space<vmem>>, %arg3: memref<256x64xf32, #tpu.memory_space<vmem>>, %arg4: memref<64x64xf32, #tpu.memory_space<vmem>>, %arg5: memref<1x64xf32, #tpu.memory_space<vmem>>, %arg6: memref<64x64xf32, #tpu.memory_space<vmem>>, %arg7: memref<256x64xf32, #tpu.memory_space<vmem>>) attributes {dimension_semantics = [#tpu.dimension_semantics<arbitrary>], iteration_bounds = array<i64: 40>, scalar_prefetch = 0 : i64, scratch_operands = 0 : i64, tpu.core_type = #tpu.core_type<tc>, window_params = [{transform_indices = @transform_0, window_bounds = array<i64: 256, 64>}, {transform_indices = @transform_1, window_bounds = array<i64: 256, 1>}, {transform_indices = @transform_2, window_bounds = array<i64: 256, 64>}, {pipeline_mode = #tpu.pipeline_mode<synchronous>, transform_indices = @transform_3, window_bounds = array<i64: 64, 64>}, {pipeline_mode = #tpu.pipeline_mode<synchronous>, transform_indices = @transform_4, window_bounds = array<i64: 1, 64>}, {pipeline_mode = #tpu.pipeline_mode<synchronous>, transform_indices = @transform_5, window_bounds = array<i64: 64, 64>}, {transform_indices = @transform_6, window_bounds = array<i64: 256, 64>}]} {
    %get3A = arith.constant 0 : index
    %get3A_0 = arith.constant 0 : index
    %get3A_1 = vector.load %arg1[%get3A, %get3A_0] : memref<256x64xf32, #tpu.memory_space<vmem>>, vector<256x64xf32>
    %get3A_2 = arith.constant 0 : index
    %get3A_3 = arith.constant 0 : index
    %get3A_4 = vector.load %arg2[%get3A_2, %get3A_3] : memref<256x1xf32, #tpu.memory_space<vmem>>, vector<256x1xf32>
    %max3A = arith.constant 1.000000e+00 : f32
    %max3A_5 = vector.broadcast %max3A : f32 to vector<256x1xf32>
    %max3A_6 = arith.maximumf %get3A_4, %max3A_5 : vector<256x1xf32>
    %div3A = vector.broadcast %max3A_6 : vector<256x1xf32> to vector<256x64xf32>
    %div3A_7 = arith.divf %get3A_1, %div3A : vector<256x64xf32>
    %get3A_8 = arith.constant 0 : index
    %get3A_9 = arith.constant 0 : index
    %get3A_10 = vector.load %arg4[%get3A_8, %get3A_9] : memref<64x64xf32, #tpu.memory_space<vmem>>, vector<64x64xf32>
    %dot_general3A = arith.constant dense<0.000000e+00> : vector<256x64xf32>
    %dot_general3A_11 = tpu.matmul %div3A_7, %get3A_10, %dot_general3A {dimension_numbers = #tpu.dot_dimension_numbers<[1], [0], [0], [1], [0, 0, 1, 1], [], []>, transpose_lhs_hint = false} : vector<256x64xf32>, vector<64x64xf32>, vector<256x64xf32> -> vector<256x64xf32>
    %get3A_12 = arith.constant 0 : index
    %get3A_13 = arith.constant 0 : index
    %get3A_14 = vector.load %arg5[%get3A_12, %get3A_13] : memref<1x64xf32, #tpu.memory_space<vmem>>, vector<1x64xf32>
    %add3A = vector.broadcast %get3A_14 : vector<1x64xf32> to vector<256x64xf32>
    %add3A_15 = arith.addf %dot_general3A_11, %add3A : vector<256x64xf32>
    %get3A_16 = arith.constant 0 : index
    %get3A_17 = arith.constant 0 : index
    %get3A_18 = vector.load %arg3[%get3A_16, %get3A_17] : memref<256x64xf32, #tpu.memory_space<vmem>>, vector<256x64xf32>
    %get3A_19 = arith.constant 0 : index
    %get3A_20 = arith.constant 0 : index
    %get3A_21 = vector.load %arg6[%get3A_19, %get3A_20] : memref<64x64xf32, #tpu.memory_space<vmem>>, vector<64x64xf32>
    %dot_general3A_22 = arith.constant dense<0.000000e+00> : vector<256x64xf32>
    %dot_general3A_23 = tpu.matmul %get3A_18, %get3A_21, %dot_general3A_22 {dimension_numbers = #tpu.dot_dimension_numbers<[1], [0], [0], [1], [0, 0, 1, 1], [], []>, transpose_lhs_hint = false} : vector<256x64xf32>, vector<64x64xf32>, vector<256x64xf32> -> vector<256x64xf32>
    %add3A_24 = arith.addf %add3A_15, %dot_general3A_23 : vector<256x64xf32>
    %max3A_25 = arith.constant 0.000000e+00 : f32
    %max3A_26 = vector.broadcast %max3A_25 : f32 to vector<256x64xf32>
    %max3A_27 = arith.maximumf %add3A_24, %max3A_26 : vector<256x64xf32>
    %swap3A = arith.constant 0 : index
    %swap3A_28 = arith.constant 0 : index
    %swap3A_29 = vector.load %arg7[%swap3A, %swap3A_28] : memref<256x64xf32, #tpu.memory_space<vmem>>, vector<256x64xf32>
    tpu.vector_store %arg7[%swap3A, %swap3A_28], %max3A_27 {strides = array<i32>} : memref<256x64xf32, #tpu.memory_space<vmem>>, vector<256x64xf32>,
    return
  }
  func.func @transform_0(%arg0: i32) -> (i32, i32) {
    %c0_i32 = arith.constant 0 : i32
    %c0_i32_0 = arith.constant 0 : i32
    return %arg0, %c0_i32 : i32, i32
  }
  func.func @transform_1(%arg0: i32) -> (i32, i32) {
    %c0_i32 = arith.constant 0 : i32
    %c0_i32_0 = arith.constant 0 : i32
    return %arg0, %c0_i32 : i32, i32
  }
  func.func @transform_2(%arg0: i32) -> (i32, i32) {
    %c0_i32 = arith.constant 0 : i32
    %c0_i32_0 = arith.constant 0 : i32
    return %arg0, %c0_i32 : i32, i32
  }
  func.func @transform_3(%arg0: i32) -> (i32, i32) {
    %c0_i32 = arith.constant 0 : i32
    %c0_i32_0 = arith.constant 0 : i32
    %c0_i32_1 = arith.constant 0 : i32
    return %c0_i32, %c0_i32_0 : i32, i32
  }
  func.func @transform_4(%arg0: i32) -> (i32, i32) {
    %c0_i32 = arith.constant 0 : i32
    %c0_i32_0 = arith.constant 0 : i32
    %c0_i32_1 = arith.constant 0 : i32
    return %c0_i32, %c0_i32_0 : i32, i32
  }
  func.func @transform_5(%arg0: i32) -> (i32, i32) {
    %c0_i32 = arith.constant 0 : i32
    %c0_i32_0 = arith.constant 0 : i32
    %c0_i32_1 = arith.constant 0 : i32
    return %c0_i32, %c0_i32_0 : i32, i32
  }
  func.func @transform_6(%arg0: i32) -> (i32, i32) {
    %c0_i32 = arith.constant 0 : i32
    %c0_i32_0 = arith.constant 0 : i32
    return %arg0, %c0_i32 : i32, i32
  }
}

module attributes {stable_mosaic.version = 14 : i64} {
  func.func @_conv_body(%arg0: i32, %arg1: memref<256x64xf32, #tpu.memory_space<vmem>>, %arg2: memref<256x1xf32, #tpu.memory_space<vmem>>, %arg3: memref<256x64xf32, #tpu.memory_space<vmem>>, %arg4: memref<64x128xf32, #tpu.memory_space<vmem>>, %arg5: memref<1x128xf32, #tpu.memory_space<vmem>>, %arg6: memref<64x128xf32, #tpu.memory_space<vmem>>, %arg7: memref<256x128xf32, #tpu.memory_space<vmem>>) attributes {dimension_semantics = [#tpu.dimension_semantics<arbitrary>], iteration_bounds = array<i64: 40>, scalar_prefetch = 0 : i64, scratch_operands = 0 : i64, tpu.core_type = #tpu.core_type<tc>, window_params = [{transform_indices = @transform_0, window_bounds = array<i64: 256, 64>}, {transform_indices = @transform_1, window_bounds = array<i64: 256, 1>}, {transform_indices = @transform_2, window_bounds = array<i64: 256, 64>}, {pipeline_mode = #tpu.pipeline_mode<synchronous>, transform_indices = @transform_3, window_bounds = array<i64: 64, 128>}, {pipeline_mode = #tpu.pipeline_mode<synchronous>, transform_indices = @transform_4, window_bounds = array<i64: 1, 128>}, {pipeline_mode = #tpu.pipeline_mode<synchronous>, transform_indices = @transform_5, window_bounds = array<i64: 64, 128>}, {transform_indices = @transform_6, window_bounds = array<i64: 256, 128>}]} {
    %get3A = arith.constant 0 : index
    %get3A_0 = arith.constant 0 : index
    %get3A_1 = vector.load %arg1[%get3A, %get3A_0] : memref<256x64xf32, #tpu.memory_space<vmem>>, vector<256x64xf32>
    %get3A_2 = arith.constant 0 : index
    %get3A_3 = arith.constant 0 : index
    %get3A_4 = vector.load %arg4[%get3A_2, %get3A_3] : memref<64x128xf32, #tpu.memory_space<vmem>>, vector<64x128xf32>
    %dot_general3A = arith.constant dense<0.000000e+00> : vector<256x128xf32>
    %dot_general3A_5 = tpu.matmul %get3A_1, %get3A_4, %dot_general3A {dimension_numbers = #tpu.dot_dimension_numbers<[1], [0], [0], [1], [0, 0, 1, 1], [], []>, transpose_lhs_hint = false} : vector<256x64xf32>, vector<64x128xf32>, vector<256x128xf32> -> vector<256x128xf32>
    %get3A_6 = arith.constant 0 : index
    %get3A_7 = arith.constant 0 : index
    %get3A_8 = vector.load %arg5[%get3A_6, %get3A_7] : memref<1x128xf32, #tpu.memory_space<vmem>>, vector<1x128xf32>
    %add3A = vector.broadcast %get3A_8 : vector<1x128xf32> to vector<256x128xf32>
    %add3A_9 = arith.addf %dot_general3A_5, %add3A : vector<256x128xf32>
    %get3A_10 = arith.constant 0 : index
    %get3A_11 = arith.constant 0 : index
    %get3A_12 = vector.load %arg3[%get3A_10, %get3A_11] : memref<256x64xf32, #tpu.memory_space<vmem>>, vector<256x64xf32>
    %get3A_13 = arith.constant 0 : index
    %get3A_14 = arith.constant 0 : index
    %get3A_15 = vector.load %arg6[%get3A_13, %get3A_14] : memref<64x128xf32, #tpu.memory_space<vmem>>, vector<64x128xf32>
    %dot_general3A_16 = arith.constant dense<0.000000e+00> : vector<256x128xf32>
    %dot_general3A_17 = tpu.matmul %get3A_12, %get3A_15, %dot_general3A_16 {dimension_numbers = #tpu.dot_dimension_numbers<[1], [0], [0], [1], [0, 0, 1, 1], [], []>, transpose_lhs_hint = false} : vector<256x64xf32>, vector<64x128xf32>, vector<256x128xf32> -> vector<256x128xf32>
    %add3A_18 = arith.addf %add3A_9, %dot_general3A_17 : vector<256x128xf32>
    %swap3A = arith.constant 0 : index
    %swap3A_19 = arith.constant 0 : index
    %swap3A_20 = vector.load %arg7[%swap3A, %swap3A_19] : memref<256x128xf32, #tpu.memory_space<vmem>>, vector<256x128xf32>
    tpu.vector_store %arg7[%swap3A, %swap3A_19], %add3A_18 {strides = array<i32>} : memref<256x128xf32, #tpu.memory_space<vmem>>, vector<256x128xf32>,
    return
  }
  func.func @transform_0(%arg0: i32) -> (i32, i32) {
    %c0_i32 = arith.constant 0 : i32
    %c0_i32_0 = arith.constant 0 : i32
    return %arg0, %c0_i32 : i32, i32
  }
  func.func @transform_1(%arg0: i32) -> (i32, i32) {
    %c0_i32 = arith.constant 0 : i32
    %c0_i32_0 = arith.constant 0 : i32
    return %arg0, %c0_i32 : i32, i32
  }
  func.func @transform_2(%arg0: i32) -> (i32, i32) {
    %c0_i32 = arith.constant 0 : i32
    %c0_i32_0 = arith.constant 0 : i32
    return %arg0, %c0_i32 : i32, i32
  }
  func.func @transform_3(%arg0: i32) -> (i32, i32) {
    %c0_i32 = arith.constant 0 : i32
    %c0_i32_0 = arith.constant 0 : i32
    %c0_i32_1 = arith.constant 0 : i32
    return %c0_i32, %c0_i32_0 : i32, i32
  }
  func.func @transform_4(%arg0: i32) -> (i32, i32) {
    %c0_i32 = arith.constant 0 : i32
    %c0_i32_0 = arith.constant 0 : i32
    %c0_i32_1 = arith.constant 0 : i32
    return %c0_i32, %c0_i32_0 : i32, i32
  }
  func.func @transform_5(%arg0: i32) -> (i32, i32) {
    %c0_i32 = arith.constant 0 : i32
    %c0_i32_0 = arith.constant 0 : i32
    %c0_i32_1 = arith.constant 0 : i32
    return %c0_i32, %c0_i32_0 : i32, i32
  }
  func.func @transform_6(%arg0: i32) -> (i32, i32) {
    %c0_i32 = arith.constant 0 : i32
    %c0_i32_0 = arith.constant 0 : i32
    return %arg0, %c0_i32 : i32, i32
  }
}

module attributes {stable_mosaic.version = 14 : i64} {
  func.func @_pool_body(%arg0: i32, %arg1: memref<256x64xf32, #tpu.memory_space<vmem>>, %arg2: memref<256x128xf32, #tpu.memory_space<vmem>>, %arg3: memref<64x128xf32, #tpu.memory_space<vmem>>) attributes {dimension_semantics = [#tpu.dimension_semantics<arbitrary>], iteration_bounds = array<i64: 40>, scalar_prefetch = 0 : i64, scratch_operands = 0 : i64, tpu.core_type = #tpu.core_type<tc>, window_params = [{transform_indices = @transform_0, window_bounds = array<i64: 256, 64>}, {transform_indices = @transform_1, window_bounds = array<i64: 256, 128>}, {pipeline_mode = #tpu.pipeline_mode<synchronous>, transform_indices = @transform_2, window_bounds = array<i64: 64, 128>}]} {
    %eq3A = arith.constant 0 : i32
    %eq3A_0 = arith.cmpi eq, %arg0, %eq3A : i32
    %convert_element_type3A = arith.extui %eq3A_0 : i1 to i32
    %cond3A = arith.constant 0 : i32
    %cond3A_1 = arith.cmpi ne, %convert_element_type3A, %cond3A : i32
    scf.if %cond3A_1 {
      %broadcast_in_dim3A = arith.constant 0.000000e+00 : f32
      %broadcast_in_dim3A_13 = vector.broadcast %broadcast_in_dim3A : f32 to vector<64x128xf32>
      %swap3A_14 = arith.constant 0 : index
      %swap3A_15 = arith.constant 0 : index
      %swap3A_16 = vector.load %arg3[%swap3A_14, %swap3A_15] : memref<64x128xf32, #tpu.memory_space<vmem>>, vector<64x128xf32>
      tpu.vector_store %arg3[%swap3A_14, %swap3A_15], %broadcast_in_dim3A_13 {strides = array<i32>} : memref<64x128xf32, #tpu.memory_space<vmem>>, vector<64x128xf32>,
    } else {
    }
    %get3A = arith.constant 0 : index
    %get3A_2 = arith.constant 0 : index
    %get3A_3 = vector.load %arg3[%get3A, %get3A_2] : memref<64x128xf32, #tpu.memory_space<vmem>>, vector<64x128xf32>
    %get3A_4 = arith.constant 0 : index
    %get3A_5 = arith.constant 0 : index
    %get3A_6 = vector.load %arg1[%get3A_4, %get3A_5] : memref<256x64xf32, #tpu.memory_space<vmem>>, vector<256x64xf32>
    %get3A_7 = arith.constant 0 : index
    %get3A_8 = arith.constant 0 : index
    %get3A_9 = vector.load %arg2[%get3A_7, %get3A_8] : memref<256x128xf32, #tpu.memory_space<vmem>>, vector<256x128xf32>
    %dot_general3A = arith.constant dense<0.000000e+00> : vector<64x128xf32>
    %dot_general3A_10 = tpu.matmul %get3A_6, %get3A_9, %dot_general3A {dimension_numbers = #tpu.dot_dimension_numbers<[0], [0], [1], [1], [0, 1, 1, 1], [], []>, transpose_lhs_hint = false} : vector<256x64xf32>, vector<256x128xf32>, vector<64x128xf32> -> vector<64x128xf32>
    %add3A = arith.addf %get3A_3, %dot_general3A_10 : vector<64x128xf32>
    %swap3A = arith.constant 0 : index
    %swap3A_11 = arith.constant 0 : index
    %swap3A_12 = vector.load %arg3[%swap3A, %swap3A_11] : memref<64x128xf32, #tpu.memory_space<vmem>>, vector<64x128xf32>
    tpu.vector_store %arg3[%swap3A, %swap3A_11], %add3A {strides = array<i32>} : memref<64x128xf32, #tpu.memory_space<vmem>>, vector<64x128xf32>,
    return
  }
  func.func @transform_0(%arg0: i32) -> (i32, i32) {
    %c0_i32 = arith.constant 0 : i32
    %c0_i32_0 = arith.constant 0 : i32
    return %arg0, %c0_i32 : i32, i32
  }
  func.func @transform_1(%arg0: i32) -> (i32, i32) {
    %c0_i32 = arith.constant 0 : i32
    %c0_i32_0 = arith.constant 0 : i32
    return %arg0, %c0_i32 : i32, i32
  }
  func.func @transform_2(%arg0: i32) -> (i32, i32) {
    %c0_i32 = arith.constant 0 : i32
    %c0_i32_0 = arith.constant 0 : i32
    %c0_i32_1 = arith.constant 0 : i32
    return %c0_i32, %c0_i32_0 : i32, i32
  }
}

module attributes {stable_mosaic.version = 14 : i64} {
  func.func @_head_body(%arg0: memref<64x384xf32, #tpu.memory_space<vmem>>, %arg1: memref<384x64xf32, #tpu.memory_space<vmem>>, %arg2: memref<1x64xf32, #tpu.memory_space<vmem>>, %arg3: memref<64x128xf32, #tpu.memory_space<vmem>>, %arg4: memref<1x128xf32, #tpu.memory_space<vmem>>, %arg5: memref<64x128xf32, #tpu.memory_space<vmem>>) attributes {dimension_semantics = [], scalar_prefetch = 0 : i64, scratch_operands = 0 : i64, tpu.core_type = #tpu.core_type<tc>} {
    %get3A = arith.constant 0 : index
    %get3A_0 = arith.constant 0 : index
    %get3A_1 = vector.load %arg0[%get3A, %get3A_0] : memref<64x384xf32, #tpu.memory_space<vmem>>, vector<64x384xf32>
    %get3A_2 = arith.constant 0 : index
    %get3A_3 = arith.constant 0 : index
    %get3A_4 = vector.load %arg1[%get3A_2, %get3A_3] : memref<384x64xf32, #tpu.memory_space<vmem>>, vector<384x64xf32>
    %dot_general3A = arith.constant dense<0.000000e+00> : vector<64x64xf32>
    %dot_general3A_5 = tpu.matmul %get3A_1, %get3A_4, %dot_general3A {dimension_numbers = #tpu.dot_dimension_numbers<[1], [0], [0], [1], [0, 0, 1, 1], [], []>, transpose_lhs_hint = false} : vector<64x384xf32>, vector<384x64xf32>, vector<64x64xf32> -> vector<64x64xf32>
    %get3A_6 = arith.constant 0 : index
    %get3A_7 = arith.constant 0 : index
    %get3A_8 = vector.load %arg2[%get3A_6, %get3A_7] : memref<1x64xf32, #tpu.memory_space<vmem>>, vector<1x64xf32>
    %add3A = vector.broadcast %get3A_8 : vector<1x64xf32> to vector<64x64xf32>
    %add3A_9 = arith.addf %dot_general3A_5, %add3A : vector<64x64xf32>
    %max3A = arith.constant 0.000000e+00 : f32
    %max3A_10 = vector.broadcast %max3A : f32 to vector<64x64xf32>
    %max3A_11 = arith.maximumf %add3A_9, %max3A_10 : vector<64x64xf32>
    %get3A_12 = arith.constant 0 : index
    %get3A_13 = arith.constant 0 : index
    %get3A_14 = vector.load %arg3[%get3A_12, %get3A_13] : memref<64x128xf32, #tpu.memory_space<vmem>>, vector<64x128xf32>
    %dot_general3A_15 = arith.constant dense<0.000000e+00> : vector<64x128xf32>
    %dot_general3A_16 = tpu.matmul %max3A_11, %get3A_14, %dot_general3A_15 {dimension_numbers = #tpu.dot_dimension_numbers<[1], [0], [0], [1], [0, 0, 1, 1], [], []>, transpose_lhs_hint = false} : vector<64x64xf32>, vector<64x128xf32>, vector<64x128xf32> -> vector<64x128xf32>
    %get3A_17 = arith.constant 0 : index
    %get3A_18 = arith.constant 0 : index
    %get3A_19 = vector.load %arg4[%get3A_17, %get3A_18] : memref<1x128xf32, #tpu.memory_space<vmem>>, vector<1x128xf32>
    %add3A_20 = vector.broadcast %get3A_19 : vector<1x128xf32> to vector<64x128xf32>
    %add3A_21 = arith.addf %dot_general3A_16, %add3A_20 : vector<64x128xf32>
    %iota3A = tpu.iota {dimensions = array<i32: 1>} : vector<64x128xi32>
    %lt3A = arith.constant 2 : i32
    %lt3A_22 = vector.broadcast %lt3A : i32 to vector<64x128xi32>
    %lt3A_23 = arith.cmpi slt, %iota3A, %lt3A_22 : vector<64x128xi32>
    %jit3A = arith.constant -1.000000e+30 : f32
    %broadcast_in_dim3A = vector.broadcast %jit3A : f32 to vector<64x128xf32>
    %select_n3A = arith.select %lt3A_23, %add3A_21, %broadcast_in_dim3A : vector<64x128xi1>, vector<64x128xf32>
    %reduce_max3A = arith.constant dense<0xFF800000> : vector<64xf32>
    %reduce_max3A_24 = vector.multi_reduction <maximumf>, %select_n3A, %reduce_max3A [1] : vector<64x128xf32> to vector<64xf32>
    %broadcast_in_dim3A_25 = vector.shape_cast %reduce_max3A_24 : vector<64xf32> to vector<64x1xf32>
    %sub3A = vector.broadcast %broadcast_in_dim3A_25 : vector<64x1xf32> to vector<64x128xf32>
    %sub3A_26 = arith.subf %select_n3A, %sub3A : vector<64x128xf32>
    %exp3A = math.exp %sub3A_26 : vector<64x128xf32>
    %jit3A_27 = arith.constant 0.000000e+00 : f32
    %broadcast_in_dim3A_28 = vector.broadcast %jit3A_27 : f32 to vector<64x128xf32>
    %select_n3A_29 = arith.select %lt3A_23, %exp3A, %broadcast_in_dim3A_28 : vector<64x128xi1>, vector<64x128xf32>
    %reduce_sum3A = arith.constant dense<0.000000e+00> : vector<64xf32>
    %reduce_sum3A_30 = vector.multi_reduction <add>, %select_n3A_29, %reduce_sum3A [1] : vector<64x128xf32> to vector<64xf32>
    %broadcast_in_dim3A_31 = vector.shape_cast %reduce_sum3A_30 : vector<64xf32> to vector<64x1xf32>
    %log3A = math.log %broadcast_in_dim3A_31 : vector<64x1xf32>
    %sub3A_32 = vector.broadcast %broadcast_in_dim3A_25 : vector<64x1xf32> to vector<64x128xf32>
    %sub3A_33 = arith.subf %select_n3A, %sub3A_32 : vector<64x128xf32>
    %sub3A_34 = vector.broadcast %log3A : vector<64x1xf32> to vector<64x128xf32>
    %sub3A_35 = arith.subf %sub3A_33, %sub3A_34 : vector<64x128xf32>
    %swap3A = arith.constant 0 : index
    %swap3A_36 = arith.constant 0 : index
    %swap3A_37 = vector.load %arg5[%swap3A, %swap3A_36] : memref<64x128xf32, #tpu.memory_space<vmem>>, vector<64x128xf32>
    tpu.vector_store %arg5[%swap3A, %swap3A_36], %sub3A_35 {strides = array<i32>} : memref<64x128xf32, #tpu.memory_space<vmem>>, vector<64x128xf32>,
    return
  }
}

</mosaic_0001>

<sc_bundles>
// kernel: gather_offload_async_start.1
scs
__scs_entry_jumppad:
0x0: {  	(pc) =	sbr.rel $0x88, $3  }
0x1: {  	(tag) =	ssettag $0x0;
	lr =	simm.s32 $0x1  }
0x2: {  	[smem:$0x3F82] =	sst lr;
	_ =	strace $0xD0000000  }
0x3: {  	_ = 	snop  }
0x4: {  	_ = 	snop  }
0x5: {  	_ = 	snop  }
0x6: {  	_ = 	snop  }
0x7: {  	_ = 	snop  }
__scs_overlays_trampoline_lowered:
0x8: {  	[smem:$0x3F91] =	sst s0  }
0x9: {  	[smem:$0x3F92] =	sst s1  }
0xa: {  	[smem:$0x3F93] =	sst s2  }
0xb: {  	[smem:$0x3F94] =	sst s3  }
0xc: {  	[smem:$0x3F95] =	sst s4  }
0xd: {  	[smem:$0x3F96] =	sst s5  }
0xe: {  	[smem:$0x3F97] =	sst s6  }
0xf: {  	[smem:$0x3F98] =	sst s7  }
0x10: {  	[smem:$0x3F99] =	sst s8  }
0x11: {  	[smem:$0x3F9A] =	sst s9;
	s0 =	simm.s32 @!p0 $0x0  }
0x12: {  	s1 =	sld [smem:$0x3F80];
	s0 =	simm.s32 @p0 $0x1  }
0x13: {  	[smem:$0x3F9B] =	sst s0;
	s0 =	simm.s32 @!p1 $0x0  }
0x14: {  	s2 =	sld [smem:$0x3F7F];
	s0 =	simm.s32 @p1 $0x1  }
0x15: {  	[smem:$0x3F9C] =	sst s0;
	s0 =	simm.s32 @!p2 $0x0  }
0x16: {  	s3 =	sld [smem:$0x3FDB];
	s0 =	simm.s32 @p2 $0x1  }
0x17: {  	s4 =	simm.s32 $0x1BF5;
	[smem:$0x3F9E] =	sst s0  }
0x18: {  	s0 =	sld [smem:$0x3F81];
	_ =	swait.ge [sflag:s4], $0x0  }
0x19: {  	s7 =	sld [smem:$0x3F82]  }
0x1a: {  	s8 =	sadd.s32 $0xFFFFE003, lr  }
0x1b: {  	s9 =	sadd.s32 $0xFFFFFEF7, lr;
	s5 =	simm.s32 $0xFFFFFFFF;
	p2 =	slt.u32 s8, $0xFFFFF086  }
0x1c: {  	p1 =	slt.u32 s9, $0xF7A;
	s5 =	simm.s32 @!p2 $0x0  }
0x1d: {  	s5 =	simm.s32 @p1 $0x1;
	p0 =	seq.s32 s7, s2  }
0x1e: {  	s7 =	smul.u32 @!p0 $0xF7A, s2;
	p2 =	seq.s32 @!p0 s5, $0x0  }
0x1f: {  	s9 =	smul.u32 $0xF7A, s1;
	s8 =	simm.s32 @!p0 $0x1BF5;
	p2 =	por !p2, p0  }
0x20: {  	[sflag:s8] =	ssyncset.s32 @!p0 $0xFFFFF086;
	s6 =	sadd.s32 @!p0 s3, s7;
	s7 =	simm.s32 @!p0 $0x108  }
0x21: {  	s3 =	sadd.s32 s3, s9;
	s6 =	sadd.s32 @!p0 $0x88, s6;
	s7 =	simm.s32 @p2 $0x1082  }
0x22: {  	[simem:s7], [sflag:s8] =	dma.local @!p0 [hbm:s6], $0xF7A  }
0x23: {  	s9 =	sor.u32 $0xD0000000, s2;
	s6 =	simm.s32 $0x108;
	_ =	swait.ge @!p0 [sflag:s8], $0x0  }
0x24: {  	s3 =	sadd.s32 $0x88, s3;
	s6 =	simm.s32 @!p1 $0x1082;
	[sflag:s4] =	ssyncset.s32 $0xFFFFF086  }
0x25: {  	[simem:s6], [sflag:s4] =	dma.local [hbm:s3], $0xF7A  }
0x26: {  	[smem:$0x3F82] =	sst s1;
	(tag) =	ssettag s2;
	_ =	strace s9  }
0x27: {  	s1 =	sld [smem:$0x3F92]  }
0x28: {  	s2 =	sld [smem:$0x3F93]  }
0x29: {  	s4 =	sld [smem:$0x3F95]  }
0x2a: {  	p0 =	seq.s32 s5, $0x0;
	s5 =	sld [smem:$0x3F96]  }
0x2b: {  	s6 =	sld [smem:$0x3F97]  }
0x2c: {  	s7 =	sld [smem:$0x3F98]  }
0x2d: {  	s3 =	simm.s32 $0x108;
	s8 =	sld [smem:$0x3F99]  }
0x2e: {  	s3 =	simm.s32 @!p0 $0x1082;
	s9 =	sld [smem:$0x3F9A]  }
0x2f: {  	lr =	sadd.s32 s0, s3;
	s0 =	sld [smem:$0x3F91]  }
0x30: {  	s3 =	sld [smem:$0x3F94]  }
0x31: {  	[smem:$0x3F9D] =	sst s10  }
0x32: {  	s10 =	sld [smem:$0x3F9B];
	_ =	sdelay $0x3  }
0x33: {  	p0 =	seq.s32 s10, $0x1;
	s10 =	sld [smem:$0x3F9D];
	_ =	sdelay $0x3  }
0x34: {  	[smem:$0x3F9D] =	sst s10  }
0x35: {  	s10 =	sld [smem:$0x3F9C];
	_ =	sdelay $0x3  }
0x36: {  	p1 =	seq.s32 s10, $0x1;
	s10 =	sld [smem:$0x3F9D];
	_ =	sdelay $0x3  }
0x37: {  	[smem:$0x3F9D] =	sst s10  }
0x38: {  	s10 =	sld [smem:$0x3F9E]  }
0x39: {  	_ = 	snop;
	(pc) =	sbr.ind lr, $3  }
0x3a: {  	_ = 	snop  }
0x3b: {  	_ = 	snop  }
0x3c: {  	p2 =	seq.s32 s10, $0x1;
	s10 =	sld [smem:$0x3F9D]  }
0x3d: {  	_ =	shalt  }
0x3e: {  	_ =	shalt  }
0x3f: {  	_ =	shalt  }
0x40: {  	_ =	shalt  }
0x41: {  	_ =	shalt  }
0x42: {  	_ =	shalt  }
0x43: {  	_ =	shalt  }
0x44: {  	_ =	shalt  }
0x45: {  	_ =	shalt  }
0x46: {  	_ =	shalt  }
0x47: {  	_ =	shalt  }
0x48: {  	_ =	shalt  }
0x49: {  	_ =	shalt  }
0x4a: {  	_ =	shalt  }
0x4b: {  	_ =	shalt  }
0x4c: {  	_ =	shalt  }
0x4d: {  	_ =	shalt  }
0x4e: {  	_ =	shalt  }
0x4f: {  	_ =	shalt  }
0x50: {  	_ =	shalt  }
0x51: {  	_ =	shalt  }
0x52: {  	_ =	shalt  }
0x53: {  	_ =	shalt  }
0x54: {  	_ =	shalt  }
0x55: {  	_ =	shalt  }
0x56: {  	_ =	shalt  }
0x57: {  	_ =	shalt  }
0x58: {  	_ =	shalt  }
0x59: {  	_ =	shalt  }
0x5a: {  	_ =	shalt  }
0x5b: {  	_ =	shalt  }
0x5c: {  	_ =	shalt  }
0x5d: {  	_ =	shalt  }
0x5e: {  	_ =	shalt  }
0x5f: {  	_ =	shalt  }
0x60: {  	_ =	shalt  }
0x61: {  	_ =	shalt  }
0x62: {  	_ =	shalt  }
0x63: {  	_ =	shalt  }
0x64: {  	_ =	shalt  }
0x65: {  	_ =	shalt  }
0x66: {  	_ =	shalt  }
0x67: {  	_ =	shalt  }
0x68: {  	_ =	shalt  }
0x69: {  	_ =	shalt  }
0x6a: {  	_ =	shalt  }
0x6b: {  	_ =	shalt  }
0x6c: {  	_ =	shalt  }
0x6d: {  	_ =	shalt  }
0x6e: {  	_ =	shalt  }
0x6f: {  	_ =	shalt  }
0x70: {  	_ =	shalt  }
0x71: {  	_ =	shalt  }
0x72: {  	_ =	shalt  }
0x73: {  	_ =	shalt  }
0x74: {  	_ =	shalt  }
0x75: {  	_ =	shalt  }
0x76: {  	_ =	shalt  }
0x77: {  	_ =	shalt  }
0x78: {  	_ =	shalt  }
0x79: {  	_ =	shalt  }
0x7a: {  	_ =	shalt  }
0x7b: {  	_ =	shalt  }
0x7c: {  	_ =	shalt  }
0x7d: {  	_ =	shalt  }
0x7e: {  	_ =	shalt  }
0x7f: {  	_ =	shalt  }
0x80: {  	_ =	shalt  }
0x81: {  	_ =	shalt  }
0x82: {  	_ =	shalt  }
0x83: {  	_ =	shalt  }
0x84: {  	_ =	shalt  }
0x85: {  	_ =	shalt  }
0x86: {  	_ =	shalt  }
0x87: {  	_ =	shalt  }
.Lfunc_end0:
.L_simem_size_0:
called_computation.5_lowered:
.L_overlay_start_0:
0x88: {  	s2 =	sld [smem:$0x3FD9]  }
0x89: {  	s3 =	sld [smem:$0x3FFE];
	_ =	sdelay $0x1  }
0x8a: {  	s1 =	srdreg.scid  }
0x8b: {  	s0 =	sand.u32 $0x1, s1  }
0x8c: {  	s16 =	sshll.u32 s0, $0xA;
	s2 =	sadd.s32 s3, s2  }
0x8d: {  	s2 =	sadd.s32 s2, s16  }
0x8e: {  	[smem:$0x3FA9] =	sst s2  }
0x8f: {  	_ = 	snop  }
0x90: {  	(tm) =	ssettm $0x1  }
0x91: {  	s17 =	sld [smem:$0x3FFB];
	_ =	sdelay $0x3  }
0x92: {  	_ =	strace s17  }
0x93: {  	s2 =	sld [smem:$0x3FFC];
	_ =	sdelay $0x3  }
0x94: {  	_ =	strace s2  }
0x95: {  	s2 =	sld [smem:$0x3FFD];
	_ =	sdelay $0x3  }
0x96: {  	_ =	strace s2  }
0x97: {  	_ =	strace $0x8FFFFFFF  }
0x98: {  	s18 =	sld [smem:$0x3FDB];
	_ =	sdelay $0x1  }
0x99: {  	s19 =	simm.s32 $_scs_section_size  }
0x9a: {  	s4 =	simm.s32 $_size__tile_overlayer_lowered;
	s5 =	simm.s32 $_tile_overlayer_lowered  }
0x9b: {  	s22 =	simm.s32 $0x1BFF;
	s21 =	sshll.u32 s5, $0x1;
	s2 =	sadd.s32 s19, s18  }
0x9c: {  	s6 =	simm.s32 $0x0;
	s20 =	sshll.u32 s4, $0x1;
	s4 =	sadd.s32 s21, s2  }
0x9d: {  	[timem:s6], [sflag:s22] =	dma.local [hbm:s4], s20  }
0x9e: {  	_ =	swait.ge [sflag:s22], s20  }
0x9f: {  	s3 =	ssub.s32 $0x0, s20;
	[sflag:s22] =	ssyncset.done $0x0  }
0xa0: {  	[sflag:s22] =	ssyncadd.s32 s3;
	_ =	sdelay $0x1  }
0xa1: {  	s23 =	simm.s32 $0x1B8B  }
0xa2: {  	_ =	swait.ge [sflag:s23], $0x1  }
0xa3: {  	[sflag:s23] =	ssyncset.done $0x0  }
0xa4: {  	s25 =	simm.s32 $0x1B8E;
	s24 =	sld [smem:$0x3FFE];
	[sflag:s23] =	ssyncadd.s32 $0xFFFFFFFF  }
0xa5: {  	s26 =	simm.s32 $execute0_lowered;
	[smem:$0x3FD2] =	sst s25  }
0xa6: {  	s4 =	sshll.u32 s26, $0x1;
	_ =	strace $0x8000005B;
	[dreg:$0x1] =	wrdreg $0xFFFFFFFF  }
0xa7: {  	s28 =	simm.s32 $_size_execute0_lowered;
	s2 =	sadd.s32 s2, s4;
	[dreg:$0x0] =	wrdreg $0x0  }
0xa8: {  	s4 =	sshll.u32 s28, $0x1;
	[dreg:$0x2] =	wrdreg s2  }
0xa9: {  	[dreg:$0x3] =	wrdreg s4  }
0xaa: {  	[dreg:$0x4] =	wrdreg $0xC0  }
0xab: {  	_ =	task [dreg:s6], $0x5FFFF  }
0xac: {  	[dreg:$0x1] =	wrdreg $0xFFFFFFFF  }
0xad: {  	[dreg:$0x0] =	wrdreg $0x60  }
0xae: {  	[dreg:$0x2] =	wrdreg s24  }
0xaf: {  	[dreg:$0x3] =	wrdreg $0x9  }
0xb0: {  	_ =	task.clear_ibuf [dreg:s6], $0x4FFFF;
	_ =	strace $0x9000005B  }
0xb1: {  	s29 =	simm.s32 $0x9;
	_ =	strace $0x8000005D  }
0xb2: {  	_ =	swait.ge [sflag:s29], $0x1  }
0xb3: {  	[sflag:s29] =	ssyncadd.s32 $0xFFFFFFFF  }
0xb4: {  	_ =	strace $0x9000005D  }
0xb5: {  	_ =	sfence  }
0xb6: {  	s30 =	sld [smem:$0x0];
	_ =	sdelay $0x2  }
0xb7: {  	s31 =	sshll.u32 s1, $0xD;
	s1 =	sshrl.u32 s1, $0x2  }
0xb8: {  	s3 =	sand.u32 $0x4000, s31;
	s1 =	sadd.s32 s1, s30  }
0xb9: {  	s0 =	sor.u32 s3, s0;
	s1 =	sshll.u32 s1, $0x11  }
0xba: {  	s0 =	sor.u32 s1, s0  }
0xbb: {  	s0 =	sadd.s32 $0x8F2B, s0  }
0xbc: {  	[sflag:s0] =	ssyncadd.remote.s32 $0x1  }
0xbd: {  	_ =	sfence.sel $0xFFFF  }
0xbe: {  	[dreg:$0x0] =	wrdreg $0xFFFFFFFF;
	(pc) =	sbr.abs _section_cstart, $3  }
0xbf: {  	[dreg:$0x1] =	wrdreg $0xFFFFFFFF  }
0xc0: {  	_ =	task.clear_ibuf [dreg:s6], $0x2FFFF;
	_ =	strace $0x9FFFFFFF  }
0xc1: {  	(tm) =	ssettm $0x7FFFFFFF  }
tec
execute0_lowered:
.L_overlay_start_1:
0x0: {  	(tag) =	ssettag $0x1  }
0x1: {  	s0 =	srdreg.scid;
	s5 =	rddreg [dreg:$0x0]  }
0x2: {  	s1 =	stileid.u32;
	s6 =	simm.s32 $0x1;
	s9 =	simm.s32 $0x1  }
0x3: {  	s10 =	simm.s32 $0x3;
	s13 =	simm.s32 $0x0;
	s2 =	sshll.u32 s0, $0x8  }
0x4: {  	s12 =	simm.s32 $0x0;
	s3 =	sshll.u32 s1, $0x9;
	s2 =	sand.u32 $0x100, s2  }
0x5: {  	s0 =	rddreg [dreg:$0x1];
	_ =	strace $0x8000005C;
	s2 =	sor.u32 s3, s2  }
0x6: {  	s4 =	sadd.s32 $0xA5400, s5;
	[sflag:s6] =	ssyncpa.u1 $0x0;
	s8 =	ssub.s32 $0x2800, s2  }
.Ltmp0:
0x7: {  	s3 =	sadd.s32 $0xB9000, s5;
	s7 =	sand.u32 $0x1F00, s8;
	(pc) =	sbr.rel .LBB2_1-.Ltmp0, $4  }
0x8: {  	s5 =	sadd.s32 $0xB3A00, s5;
	s11 =	smov.u32 s2;
	p0 =	sne.s32 s7, $0x0  }
0x9: {  	s8 =	sshrl.u32 s8, $0xD;
	s7 =	simm.s32 $0x2;
	s9 =	simm.s32 @!p0 $0x0  }
0xa: {  	[sflag:s7] =	ssyncpa.u1 $0x0;
	p0 =	por $0x0, $0x0;
	s8 =	sadd.s32 s9, s8  }
0xb: {  	vm0 =	vmmov $0xffff;
	[sflag:s10] =	ssyncpa.u1 $0x0;
	s10 =	simm.s32 $0x0;
	s9 =	sadd.s32 $0x1, s8  }
.LBB2_4:
0xc: {  	v2 =	vnsel vm1, $0x0, v2  }
0xd: {  	vm1 =	vgt.s32 v0, $0x0;
	v2 =	vmin.u32 v2, $0x27FF  }
0xe: {  	v0 =	vnsel vm1, $0x0, v0  }
0xf: {  	v0 =	vmin.u32 v0, $0x27FF  }
0x10: {  	[tilespmem:s15], [sflag:$0x1] =	stream.indirect_vreg.gather [hbm4b:s3+s10], $0x1, v1, vm0, $0x4038;
	[tilespmem:$0x400] =	vst v63  }
0x11: {  	(ifvalue) =	ssetifvalue $0x7FFFFFFF  }
0x12: {  	[tilespmem:s16], [sflag:$0x1] =	stream.indirect_vreg.gather [hbm4b:s3+s10], $0x1, v2, vm0, $0x4038;
	[tilespmem:$0x400] =	vst v63  }
0x13: {  	s29 =	sadd.s32 $0x10, s16;
	(ifvalue) =	ssetifvalue $0x7FFFFFFF  }
0x14: {  	[tilespmem:s29], [sflag:$0x1] =	stream.indirect_vreg.gather [hbm4b:s3+s10], $0x1, v0, vm0, $0x4038;
	[tilespmem:$0x400] =	vst v63  }
0x15: {  	_ =	swait.ge [sflag:s6], $0x100  }
0x16: {  	s30 =	sshrl.u32 s13, $0x3;
	[sflag:s6] =	ssyncset.done $0x0  }
0x17: {  	s31 =	sand.u32 $0x7, s13;
	s15 =	sadd.s32 s5, s30;
	[sflag:s6] =	ssyncadd.s32 $0xFFFFFF00  }
0x18: {  	[hbm4b:s15+s31] =	stream.linear.scatter [tilespmem:s14], [sflag:$0x3], $0x100, $0x38;
	[tilespmem:$0x400] =	vst v63  }
.LBB2_5:
0x19: {  	s15 =	sadd.s32 $0x2000, s11  }
0x1a: {  	p2 =	sgt.s32 s15, $0x27FF  }
0x1b: {  	s15 =	smov.u32 @p2 s2;
	p2 =	sne.s32 s12, s9  }
.Ltmp1:
0x1c: {  	p1 =	slt.u32 s12, $0x2;
	(pc) =	sbr.rel @!p2 .LBB2_6-.Ltmp1, $4  }
0x1d: {  	s14 =	simm.s32 @!p1 $0x3  }
0x1e: {  	s16 =	sadd.s32 $0x1, s12;
	_ =	swait.ge @!p1 [sflag:s14], $0x100  }
0x1f: {  	s13 =	smov.u32 s11;
	p0 =	por !p0, !p0;
	[sflag:s14] =	ssyncset.done @!p1 $0x0  }
0x20: {  	s12 =	smov.u32 s16;
	s11 =	smov.u32 s15;
	[sflag:s14] =	ssyncadd.s32 @!p1 $0xFFFFFF00  }
.LBB2_1:
0x21: {  	p1 =	sge.u32 s12, s8  }
0x22: {  	s14 =	sxor.u32 @!p1 $0xFFFFFFFF, s12  }
0x23: {  	s31 =	sadd.s32 $0xFFFFFFFF, s12;
	s15 =	sshrl.u32 @!p1 s11, $0x3;
	s14 =	sshll.u32 @!p1 s14, $0x8  }
0x24: {  	s16 =	sand.u32 @!p1 $0x7, s11;
	s15 =	sadd.s32 @!p1 s4, s15;
	s14 =	sand.u32 @!p1 $0x100, s14  }
0x25: {  	[tilespmem:s14], [sflag:$0x2] =	stream.linear.gather @!p1 [hbm4b:s15+s16], $0x100, $0x38;
	[tilespmem:$0x400] =	vst v63  }
0x26: {  	p1 =	sge.u32 s31, s8  }
.Ltmp2:
0x27: {  	_ = 	snop;
	(pc) =	sbr.rel @p1 .LBB2_5-.Ltmp2, $1  }
0x28: {  	_ =	sdelay $0x3  }
0x29: {  	s14 =	simm.s32 $0x1  }
0x2a: {  	_ =	swait.ge [sflag:s7], $0x100;
	s14 =	simm.s32 @!p0 $0x0  }
0x2b: {  	[sflag:s7] =	ssyncset.done $0x0;
	s14 =	sshll.u32 s14, $0x8  }
0x2c: {  	[sflag:s7] =	ssyncadd.s32 $0xFFFFFF00;
	(ifvalue) =	ssetifvalue $0x7FFFFFFF;
	v0 =	vld.msk [tilespmem:s14+$0x0 ss:$0x1], $0xffff;
	_ =	sdelay $0x4  }
0x2d: {  	s15 =	sadd.s32 $0x10, s14;
	vm1 =	vgt.s32 v0, $0x0  }
0x2e: {  	v2 =	vld.msk [tilespmem:s15+$0x0 ss:$0x1], $0xffff;
	v1 =	vnsel vm1, $0x0, v0  }
0x2f: {  	v1 =	vmin.u32 v1, $0x27FF;
	_ =	sdelay $0x1  }
0x30: {  	s16 =	sshll.u32 s12, $0x8;
	s18 =	simm.s32 $0x20  }
0x31: {  	s16 =	sand.u32 $0x100, s16;
	s17 =	sadd.s32 $0x10, s15;
	s15 =	sor.u32 $0x200, s14  }
0x32: {  	s14 =	sor.u32 $0x200, s16;
	s16 =	sadd.s32 $0x10, s15;
	v0 =	vld.msk [tilespmem:s17+$0x0 ss:$0x1], $0xffff;
	vm1 =	vgt.s32 v2, $0x0;
	(ifvalue) =	ssetifvalue $0x7FFFFFFF  }
.LBB2_3:
0x33: {  	[tilespmem:s15], [sflag:$0x1] =	stream.indirect_vreg.gather [hbm4b:s3+s10], $0x1, v1, vm0, $0x4038;
	[tilespmem:$0x400] =	vst v63  }
0x34: {  	s18 =	sadd.s32 $0x10, s18  }
0x35: {  	v2 =	vnsel vm1, $0x0, v2;
	p1 =	slt.u32 s18, $0xF0  }
.Ltmp3:
0x36: {  	s15 =	smov.u32 s16;
	v1 =	vmin.u32 v2, $0x27FF;
	(pc) =	sbr.rel @p1 .LBB2_3-.Ltmp3, $3  }
0x37: {  	_ =	sdelay $0x1  }
0x38: {  	s17 =	sadd.s32 $0x10, s17  }
0x39: {  	vm1 =	vgt.s32 v0, $0x0;
	s16 =	sadd.s32 $0x10, s16;
	v2 =	vmov v0;
	(ifvalue) =	ssetifvalue $0x7FFFFFFF;
	v0 =	vld.msk [tilespmem:s17+$0x0 ss:$0x1], $0xffff  }
.Ltmp4:
0x3a: {  	_ = 	snop;
	(pc) =	sbr.rel .LBB2_4-.Ltmp4, $1  }
0x3b: {  	_ =	sdelay $0x3  }
.LBB2_6:
0x3c: {  	_ =	sfence.sel $0x180000  }
0x3d: {  	s2 =	simm.s32 $0x2;
	[bflag:$0x0] =	sbarrier.arrive $0xFFFF  }
0x3e: {  	s30 =	simm.s32 $0x3;
	[sflag:s2] =	ssyncpa.u1 $0x1  }
0x3f: {  	s31 =	simm.s32 $0x1;
	[sflag:s30] =	ssyncpa.u1 $0x1  }
0x40: {  	[sflag:s31] =	ssyncpa.u1 $0x1  }
0x41: {  	p0 =	sne.s32 s1, $0x0;
	_ =	strace $0x9000005C  }
0x42: {  	s0 =	sadd.s32 @!p0 $0x100000, s0;
	[bflag:$0x2] =	sbarrier.arrive $0xFFFF  }
0x43: {  	[sflag:s0] =	ssyncadd.tile.s32 @!p0 $0x1;
	_ =	shalt  }
.Lfunc_end2:
_tile_overlayer_lowered:
.L_overlay_start_2:
0x44: {  	(tag) =	ssettag $0x2  }
0x45: {  	s0 =	rddreg [dreg:$0x0];
	s2 =	stileid.u32  }
0x46: {  	s1 =	rddreg [dreg:$0x1];
	p0 =	sne.s32 s2, $0x0  }
0x47: {  	s3 =	rddreg [dreg:$0x2];
	[bflag:$0x3] =	sbarrier.arrive $0xFFFF;
	s2 =	simm.s32 @!p0 $0x1C01  }
0x48: {  	[timem:s3], [sflag:s2] =	dma.local @!p0 [hbm:s0], s1  }
0x49: {  	s0 =	simm.s32 @!p0 $0x1  }
0x4a: {  	_ =	swait.ge @!p0 [sflag:s0], s1  }
0x4b: {  	s1 =	ssub.s32 @!p0 $0x0, s1;
	[sflag:s0] =	ssyncset.done @!p0 $0x0  }
0x4c: {  	[sflag:s0] =	ssyncadd.s32 @!p0 s1  }
0x4d: {  	[bflag:$0x3] =	sbarrier.arrive $0xFFFF  }
0x4e: {  	_ =	shalt  }

// kernel: gather_offload_async_start
scs
__scs_entry_jumppad:
0x0: {  	(pc) =	sbr.rel $0x88, $3  }
0x1: {  	(tag) =	ssettag $0x0;
	lr =	simm.s32 $0x1  }
0x2: {  	[smem:$0x3F82] =	sst lr;
	_ =	strace $0xD0000000  }
0x3: {  	_ = 	snop  }
0x4: {  	_ = 	snop  }
0x5: {  	_ = 	snop  }
0x6: {  	_ = 	snop  }
0x7: {  	_ = 	snop  }
__scs_overlays_trampoline_lowered:
0x8: {  	[smem:$0x3F91] =	sst s0  }
0x9: {  	[smem:$0x3F92] =	sst s1  }
0xa: {  	[smem:$0x3F93] =	sst s2  }
0xb: {  	[smem:$0x3F94] =	sst s3  }
0xc: {  	[smem:$0x3F95] =	sst s4  }
0xd: {  	[smem:$0x3F96] =	sst s5  }
0xe: {  	[smem:$0x3F97] =	sst s6  }
0xf: {  	[smem:$0x3F98] =	sst s7  }
0x10: {  	[smem:$0x3F99] =	sst s8  }
0x11: {  	[smem:$0x3F9A] =	sst s9;
	s0 =	simm.s32 @!p0 $0x0  }
0x12: {  	s1 =	sld [smem:$0x3F80];
	s0 =	simm.s32 @p0 $0x1  }
0x13: {  	[smem:$0x3F9B] =	sst s0;
	s0 =	simm.s32 @!p1 $0x0  }
0x14: {  	s2 =	sld [smem:$0x3F7F];
	s0 =	simm.s32 @p1 $0x1  }
0x15: {  	[smem:$0x3F9C] =	sst s0;
	s0 =	simm.s32 @!p2 $0x0  }
0x16: {  	s3 =	sld [smem:$0x3FDB];
	s0 =	simm.s32 @p2 $0x1  }
0x17: {  	s4 =	simm.s32 $0x1BF5;
	[smem:$0x3F9E] =	sst s0  }
0x18: {  	s0 =	sld [smem:$0x3F81];
	_ =	swait.ge [sflag:s4], $0x0  }
0x19: {  	s7 =	sld [smem:$0x3F82]  }
0x1a: {  	s8 =	sadd.s32 $0xFFFFE003, lr  }
0x1b: {  	s9 =	sadd.s32 $0xFFFFFEF7, lr;
	s5 =	simm.s32 $0xFFFFFFFF;
	p2 =	slt.u32 s8, $0xFFFFF086  }
0x1c: {  	p1 =	slt.u32 s9, $0xF7A;
	s5 =	simm.s32 @!p2 $0x0  }
0x1d: {  	s5 =	simm.s32 @p1 $0x1;
	p0 =	seq.s32 s7, s2  }
0x1e: {  	s7 =	smul.u32 @!p0 $0xF7A, s2;
	p2 =	seq.s32 @!p0 s5, $0x0  }
0x1f: {  	s9 =	smul.u32 $0xF7A, s1;
	s8 =	simm.s32 @!p0 $0x1BF5;
	p2 =	por !p2, p0  }
0x20: {  	[sflag:s8] =	ssyncset.s32 @!p0 $0xFFFFF086;
	s6 =	sadd.s32 @!p0 s3, s7;
	s7 =	simm.s32 @!p0 $0x108  }
0x21: {  	s3 =	sadd.s32 s3, s9;
	s6 =	sadd.s32 @!p0 $0x88, s6;
	s7 =	simm.s32 @p2 $0x1082  }
0x22: {  	[simem:s7], [sflag:s8] =	dma.local @!p0 [hbm:s6], $0xF7A  }
0x23: {  	s9 =	sor.u32 $0xD0000000, s2;
	s6 =	simm.s32 $0x108;
	_ =	swait.ge @!p0 [sflag:s8], $0x0  }
0x24: {  	s3 =	sadd.s32 $0x88, s3;
	s6 =	simm.s32 @!p1 $0x1082;
	[sflag:s4] =	ssyncset.s32 $0xFFFFF086  }
0x25: {  	[simem:s6], [sflag:s4] =	dma.local [hbm:s3], $0xF7A  }
0x26: {  	[smem:$0x3F82] =	sst s1;
	(tag) =	ssettag s2;
	_ =	strace s9  }
0x27: {  	s1 =	sld [smem:$0x3F92]  }
0x28: {  	s2 =	sld [smem:$0x3F93]  }
0x29: {  	s4 =	sld [smem:$0x3F95]  }
0x2a: {  	p0 =	seq.s32 s5, $0x0;
	s5 =	sld [smem:$0x3F96]  }
0x2b: {  	s6 =	sld [smem:$0x3F97]  }
0x2c: {  	s7 =	sld [smem:$0x3F98]  }
0x2d: {  	s3 =	simm.s32 $0x108;
	s8 =	sld [smem:$0x3F99]  }
0x2e: {  	s3 =	simm.s32 @!p0 $0x1082;
	s9 =	sld [smem:$0x3F9A]  }
0x2f: {  	lr =	sadd.s32 s0, s3;
	s0 =	sld [smem:$0x3F91]  }
0x30: {  	s3 =	sld [smem:$0x3F94]  }
0x31: {  	[smem:$0x3F9D] =	sst s10  }
0x32: {  	s10 =	sld [smem:$0x3F9B];
	_ =	sdelay $0x3  }
0x33: {  	p0 =	seq.s32 s10, $0x1;
	s10 =	sld [smem:$0x3F9D];
	_ =	sdelay $0x3  }
0x34: {  	[smem:$0x3F9D] =	sst s10  }
0x35: {  	s10 =	sld [smem:$0x3F9C];
	_ =	sdelay $0x3  }
0x36: {  	p1 =	seq.s32 s10, $0x1;
	s10 =	sld [smem:$0x3F9D];
	_ =	sdelay $0x3  }
0x37: {  	[smem:$0x3F9D] =	sst s10  }
0x38: {  	s10 =	sld [smem:$0x3F9E]  }
0x39: {  	_ = 	snop;
	(pc) =	sbr.ind lr, $3  }
0x3a: {  	_ = 	snop  }
0x3b: {  	_ = 	snop  }
0x3c: {  	p2 =	seq.s32 s10, $0x1;
	s10 =	sld [smem:$0x3F9D]  }
0x3d: {  	_ =	shalt  }
0x3e: {  	_ =	shalt  }
0x3f: {  	_ =	shalt  }
0x40: {  	_ =	shalt  }
0x41: {  	_ =	shalt  }
0x42: {  	_ =	shalt  }
0x43: {  	_ =	shalt  }
0x44: {  	_ =	shalt  }
0x45: {  	_ =	shalt  }
0x46: {  	_ =	shalt  }
0x47: {  	_ =	shalt  }
0x48: {  	_ =	shalt  }
0x49: {  	_ =	shalt  }
0x4a: {  	_ =	shalt  }
0x4b: {  	_ =	shalt  }
0x4c: {  	_ =	shalt  }
0x4d: {  	_ =	shalt  }
0x4e: {  	_ =	shalt  }
0x4f: {  	_ =	shalt  }
0x50: {  	_ =	shalt  }
0x51: {  	_ =	shalt  }
0x52: {  	_ =	shalt  }
0x53: {  	_ =	shalt  }
0x54: {  	_ =	shalt  }
0x55: {  	_ =	shalt  }
0x56: {  	_ =	shalt  }
0x57: {  	_ =	shalt  }
0x58: {  	_ =	shalt  }
0x59: {  	_ =	shalt  }
0x5a: {  	_ =	shalt  }
0x5b: {  	_ =	shalt  }
0x5c: {  	_ =	shalt  }
0x5d: {  	_ =	shalt  }
0x5e: {  	_ =	shalt  }
0x5f: {  	_ =	shalt  }
0x60: {  	_ =	shalt  }
0x61: {  	_ =	shalt  }
0x62: {  	_ =	shalt  }
0x63: {  	_ =	shalt  }
0x64: {  	_ =	shalt  }
0x65: {  	_ =	shalt  }
0x66: {  	_ =	shalt  }
0x67: {  	_ =	shalt  }
0x68: {  	_ =	shalt  }
0x69: {  	_ =	shalt  }
0x6a: {  	_ =	shalt  }
0x6b: {  	_ =	shalt  }
0x6c: {  	_ =	shalt  }
0x6d: {  	_ =	shalt  }
0x6e: {  	_ =	shalt  }
0x6f: {  	_ =	shalt  }
0x70: {  	_ =	shalt  }
0x71: {  	_ =	shalt  }
0x72: {  	_ =	shalt  }
0x73: {  	_ =	shalt  }
0x74: {  	_ =	shalt  }
0x75: {  	_ =	shalt  }
0x76: {  	_ =	shalt  }
0x77: {  	_ =	shalt  }
0x78: {  	_ =	shalt  }
0x79: {  	_ =	shalt  }
0x7a: {  	_ =	shalt  }
0x7b: {  	_ =	shalt  }
0x7c: {  	_ =	shalt  }
0x7d: {  	_ =	shalt  }
0x7e: {  	_ =	shalt  }
0x7f: {  	_ =	shalt  }
0x80: {  	_ =	shalt  }
0x81: {  	_ =	shalt  }
0x82: {  	_ =	shalt  }
0x83: {  	_ =	shalt  }
0x84: {  	_ =	shalt  }
0x85: {  	_ =	shalt  }
0x86: {  	_ =	shalt  }
0x87: {  	_ =	shalt  }
.Lfunc_end0:
.L_simem_size_0:
called_computation.4_lowered:
.L_overlay_start_0:
0x88: {  	s2 =	sld [smem:$0x3FD9]  }
0x89: {  	s3 =	sld [smem:$0x3FFE];
	_ =	sdelay $0x1  }
0x8a: {  	s1 =	srdreg.scid  }
0x8b: {  	s0 =	sand.u32 $0x1, s1  }
0x8c: {  	s16 =	sshll.u32 s0, $0xA;
	s2 =	sadd.s32 s3, s2  }
0x8d: {  	s2 =	sadd.s32 s2, s16  }
0x8e: {  	[smem:$0x3FA9] =	sst s2  }
0x8f: {  	_ = 	snop  }
0x90: {  	(tm) =	ssettm $0x1  }
0x91: {  	s17 =	sld [smem:$0x3FFB];
	_ =	sdelay $0x3  }
0x92: {  	_ =	strace s17  }
0x93: {  	s2 =	sld [smem:$0x3FFC];
	_ =	sdelay $0x3  }
0x94: {  	_ =	strace s2  }
0x95: {  	s2 =	sld [smem:$0x3FFD];
	_ =	sdelay $0x3  }
0x96: {  	_ =	strace s2  }
0x97: {  	_ =	strace $0x8FFFFFFF  }
0x98: {  	s18 =	sld [smem:$0x3FDB];
	_ =	sdelay $0x1  }
0x99: {  	s19 =	simm.s32 $_scs_section_size  }
0x9a: {  	s4 =	simm.s32 $_size__tile_overlayer_lowered;
	s5 =	simm.s32 $_tile_overlayer_lowered  }
0x9b: {  	s22 =	simm.s32 $0x1BFF;
	s21 =	sshll.u32 s5, $0x1;
	s2 =	sadd.s32 s19, s18  }
0x9c: {  	s6 =	simm.s32 $0x0;
	s20 =	sshll.u32 s4, $0x1;
	s4 =	sadd.s32 s21, s2  }
0x9d: {  	[timem:s6], [sflag:s22] =	dma.local [hbm:s4], s20  }
0x9e: {  	_ =	swait.ge [sflag:s22], s20  }
0x9f: {  	s3 =	ssub.s32 $0x0, s20;
	[sflag:s22] =	ssyncset.done $0x0  }
0xa0: {  	[sflag:s22] =	ssyncadd.s32 s3;
	_ =	sdelay $0x1  }
0xa1: {  	s23 =	simm.s32 $0x1B8B  }
0xa2: {  	_ =	swait.ge [sflag:s23], $0x1  }
0xa3: {  	[sflag:s23] =	ssyncset.done $0x0  }
0xa4: {  	s25 =	simm.s32 $0x1B8E;
	s24 =	sld [smem:$0x3FFE];
	[sflag:s23] =	ssyncadd.s32 $0xFFFFFFFF  }
0xa5: {  	s26 =	simm.s32 $execute0_lowered;
	[smem:$0x3FD2] =	sst s25  }
0xa6: {  	s4 =	sshll.u32 s26, $0x1;
	_ =	strace $0x80000055;
	[dreg:$0x1] =	wrdreg $0xFFFFFFFF  }
0xa7: {  	s28 =	simm.s32 $_size_execute0_lowered;
	s2 =	sadd.s32 s2, s4;
	[dreg:$0x0] =	wrdreg $0x0  }
0xa8: {  	s4 =	sshll.u32 s28, $0x1;
	[dreg:$0x2] =	wrdreg s2  }
0xa9: {  	[dreg:$0x3] =	wrdreg s4  }
0xaa: {  	[dreg:$0x4] =	wrdreg $0xC0  }
0xab: {  	_ =	task [dreg:s6], $0x5FFFF  }
0xac: {  	[dreg:$0x1] =	wrdreg $0xFFFFFFFF  }
0xad: {  	[dreg:$0x0] =	wrdreg $0x60  }
0xae: {  	[dreg:$0x2] =	wrdreg s24  }
0xaf: {  	[dreg:$0x3] =	wrdreg $0x9  }
0xb0: {  	_ =	task.clear_ibuf [dreg:s6], $0x4FFFF;
	_ =	strace $0x90000055  }
0xb1: {  	s29 =	simm.s32 $0x9;
	_ =	strace $0x80000057  }
0xb2: {  	_ =	swait.ge [sflag:s29], $0x1  }
0xb3: {  	[sflag:s29] =	ssyncadd.s32 $0xFFFFFFFF  }
0xb4: {  	_ =	strace $0x90000057  }
0xb5: {  	_ =	sfence  }
0xb6: {  	s30 =	sld [smem:$0x0];
	_ =	sdelay $0x2  }
0xb7: {  	s31 =	sshll.u32 s1, $0xD;
	s1 =	sshrl.u32 s1, $0x2  }
0xb8: {  	s3 =	sand.u32 $0x4000, s31;
	s1 =	sadd.s32 s1, s30  }
0xb9: {  	s0 =	sor.u32 s3, s0;
	s1 =	sshll.u32 s1, $0x11  }
0xba: {  	s0 =	sor.u32 s1, s0  }
0xbb: {  	s0 =	sadd.s32 $0x8F2B, s0  }
0xbc: {  	[sflag:s0] =	ssyncadd.remote.s32 $0x1  }
0xbd: {  	_ =	sfence.sel $0xFFFF  }
0xbe: {  	[dreg:$0x0] =	wrdreg $0xFFFFFFFF;
	(pc) =	sbr.abs _section_cstart, $3  }
0xbf: {  	[dreg:$0x1] =	wrdreg $0xFFFFFFFF  }
0xc0: {  	_ =	task.clear_ibuf [dreg:s6], $0x2FFFF;
	_ =	strace $0x9FFFFFFF  }
0xc1: {  	(tm) =	ssettm $0x7FFFFFFF  }
tec
execute0_lowered:
.L_overlay_start_1:
0x0: {  	(tag) =	ssettag $0x1  }
0x1: {  	s0 =	srdreg.scid;
	s5 =	rddreg [dreg:$0x0]  }
0x2: {  	s1 =	stileid.u32;
	s6 =	simm.s32 $0x1;
	s9 =	simm.s32 $0x1  }
0x3: {  	s10 =	simm.s32 $0x3;
	s13 =	simm.s32 $0x0;
	s2 =	sshll.u32 s0, $0x8  }
0x4: {  	s12 =	simm.s32 $0x0;
	s3 =	sshll.u32 s1, $0x9;
	s2 =	sand.u32 $0x100, s2  }
0x5: {  	s0 =	rddreg [dreg:$0x1];
	_ =	strace $0x80000056;
	s2 =	sor.u32 s3, s2  }
0x6: {  	s4 =	sadd.s32 $0xA6000, s5;
	[sflag:s6] =	ssyncpa.u1 $0x0;
	s8 =	ssub.s32 $0x2800, s2  }
.Ltmp0:
0x7: {  	s3 =	sadd.s32 $0xB9000, s5;
	s7 =	sand.u32 $0x1F00, s8;
	(pc) =	sbr.rel .LBB2_1-.Ltmp0, $4  }
0x8: {  	s5 =	sadd.s32 $0xB5000, s5;
	s11 =	smov.u32 s2;
	p0 =	sne.s32 s7, $0x0  }
0x9: {  	s8 =	sshrl.u32 s8, $0xD;
	s7 =	simm.s32 $0x2;
	s9 =	simm.s32 @!p0 $0x0  }
0xa: {  	[sflag:s7] =	ssyncpa.u1 $0x0;
	p0 =	por $0x0, $0x0;
	s8 =	sadd.s32 s9, s8  }
0xb: {  	vm0 =	vmmov $0xffff;
	[sflag:s10] =	ssyncpa.u1 $0x0;
	s10 =	simm.s32 $0x0;
	s9 =	sadd.s32 $0x1, s8  }
.LBB2_4:
0xc: {  	v2 =	vnsel vm1, $0x0, v2  }
0xd: {  	vm1 =	vgt.s32 v0, $0x0;
	v2 =	vmin.u32 v2, $0x27FF  }
0xe: {  	v0 =	vnsel vm1, $0x0, v0  }
0xf: {  	v0 =	vmin.u32 v0, $0x27FF  }
0x10: {  	[tilespmem:s15], [sflag:$0x1] =	stream.indirect_vreg.gather [hbm4b:s3+s10], $0x1, v1, vm0, $0x4038;
	[tilespmem:$0x400] =	vst v63  }
0x11: {  	(ifvalue) =	ssetifvalue $0x7FFFFFFF  }
0x12: {  	[tilespmem:s16], [sflag:$0x1] =	stream.indirect_vreg.gather [hbm4b:s3+s10], $0x1, v2, vm0, $0x4038;
	[tilespmem:$0x400] =	vst v63  }
0x13: {  	s29 =	sadd.s32 $0x10, s16;
	(ifvalue) =	ssetifvalue $0x7FFFFFFF  }
0x14: {  	[tilespmem:s29], [sflag:$0x1] =	stream.indirect_vreg.gather [hbm4b:s3+s10], $0x1, v0, vm0, $0x4038;
	[tilespmem:$0x400] =	vst v63  }
0x15: {  	_ =	swait.ge [sflag:s6], $0x100  }
0x16: {  	s30 =	sshrl.u32 s13, $0x3;
	[sflag:s6] =	ssyncset.done $0x0  }
0x17: {  	s31 =	sand.u32 $0x7, s13;
	s15 =	sadd.s32 s5, s30;
	[sflag:s6] =	ssyncadd.s32 $0xFFFFFF00  }
0x18: {  	[hbm4b:s15+s31] =	stream.linear.scatter [tilespmem:s14], [sflag:$0x3], $0x100, $0x38;
	[tilespmem:$0x400] =	vst v63  }
.LBB2_5:
0x19: {  	s15 =	sadd.s32 $0x2000, s11  }
0x1a: {  	p2 =	sgt.s32 s15, $0x27FF  }
0x1b: {  	s15 =	smov.u32 @p2 s2;
	p2 =	sne.s32 s12, s9  }
.Ltmp1:
0x1c: {  	p1 =	slt.u32 s12, $0x2;
	(pc) =	sbr.rel @!p2 .LBB2_6-.Ltmp1, $4  }
0x1d: {  	s14 =	simm.s32 @!p1 $0x3  }
0x1e: {  	s16 =	sadd.s32 $0x1, s12;
	_ =	swait.ge @!p1 [sflag:s14], $0x100  }
0x1f: {  	s13 =	smov.u32 s11;
	p0 =	por !p0, !p0;
	[sflag:s14] =	ssyncset.done @!p1 $0x0  }
0x20: {  	s12 =	smov.u32 s16;
	s11 =	smov.u32 s15;
	[sflag:s14] =	ssyncadd.s32 @!p1 $0xFFFFFF00  }
.LBB2_1:
0x21: {  	p1 =	sge.u32 s12, s8  }
0x22: {  	s14 =	sxor.u32 @!p1 $0xFFFFFFFF, s12  }
0x23: {  	s31 =	sadd.s32 $0xFFFFFFFF, s12;
	s15 =	sshrl.u32 @!p1 s11, $0x3;
	s14 =	sshll.u32 @!p1 s14, $0x8  }
0x24: {  	s16 =	sand.u32 @!p1 $0x7, s11;
	s15 =	sadd.s32 @!p1 s4, s15;
	s14 =	sand.u32 @!p1 $0x100, s14  }
0x25: {  	[tilespmem:s14], [sflag:$0x2] =	stream.linear.gather @!p1 [hbm4b:s15+s16], $0x100, $0x38;
	[tilespmem:$0x400] =	vst v63  }
0x26: {  	p1 =	sge.u32 s31, s8  }
.Ltmp2:
0x27: {  	_ = 	snop;
	(pc) =	sbr.rel @p1 .LBB2_5-.Ltmp2, $1  }
0x28: {  	_ =	sdelay $0x3  }
0x29: {  	s14 =	simm.s32 $0x1  }
0x2a: {  	_ =	swait.ge [sflag:s7], $0x100;
	s14 =	simm.s32 @!p0 $0x0  }
0x2b: {  	[sflag:s7] =	ssyncset.done $0x0;
	s14 =	sshll.u32 s14, $0x8  }
0x2c: {  	[sflag:s7] =	ssyncadd.s32 $0xFFFFFF00;
	(ifvalue) =	ssetifvalue $0x7FFFFFFF;
	v0 =	vld.msk [tilespmem:s14+$0x0 ss:$0x1], $0xffff;
	_ =	sdelay $0x4  }
0x2d: {  	s15 =	sadd.s32 $0x10, s14;
	vm1 =	vgt.s32 v0, $0x0  }
0x2e: {  	v2 =	vld.msk [tilespmem:s15+$0x0 ss:$0x1], $0xffff;
	v1 =	vnsel vm1, $0x0, v0  }
0x2f: {  	v1 =	vmin.u32 v1, $0x27FF;
	_ =	sdelay $0x1  }
0x30: {  	s16 =	sshll.u32 s12, $0x8;
	s18 =	simm.s32 $0x20  }
0x31: {  	s16 =	sand.u32 $0x100, s16;
	s17 =	sadd.s32 $0x10, s15;
	s15 =	sor.u32 $0x200, s14  }
0x32: {  	s14 =	sor.u32 $0x200, s16;
	s16 =	sadd.s32 $0x10, s15;
	v0 =	vld.msk [tilespmem:s17+$0x0 ss:$0x1], $0xffff;
	vm1 =	vgt.s32 v2, $0x0;
	(ifvalue) =	ssetifvalue $0x7FFFFFFF  }
.LBB2_3:
0x33: {  	[tilespmem:s15], [sflag:$0x1] =	stream.indirect_vreg.gather [hbm4b:s3+s10], $0x1, v1, vm0, $0x4038;
	[tilespmem:$0x400] =	vst v63  }
0x34: {  	s18 =	sadd.s32 $0x10, s18  }
0x35: {  	v2 =	vnsel vm1, $0x0, v2;
	p1 =	slt.u32 s18, $0xF0  }
.Ltmp3:
0x36: {  	s15 =	smov.u32 s16;
	v1 =	vmin.u32 v2, $0x27FF;
	(pc) =	sbr.rel @p1 .LBB2_3-.Ltmp3, $3  }
0x37: {  	_ =	sdelay $0x1  }
0x38: {  	s17 =	sadd.s32 $0x10, s17  }
0x39: {  	vm1 =	vgt.s32 v0, $0x0;
	s16 =	sadd.s32 $0x10, s16;
	v2 =	vmov v0;
	(ifvalue) =	ssetifvalue $0x7FFFFFFF;
	v0 =	vld.msk [tilespmem:s17+$0x0 ss:$0x1], $0xffff  }
.Ltmp4:
0x3a: {  	_ = 	snop;
	(pc) =	sbr.rel .LBB2_4-.Ltmp4, $1  }
0x3b: {  	_ =	sdelay $0x3  }
.LBB2_6:
0x3c: {  	_ =	sfence.sel $0x180000  }
0x3d: {  	s2 =	simm.s32 $0x2;
	[bflag:$0x0] =	sbarrier.arrive $0xFFFF  }
0x3e: {  	s30 =	simm.s32 $0x3;
	[sflag:s2] =	ssyncpa.u1 $0x1  }
0x3f: {  	s31 =	simm.s32 $0x1;
	[sflag:s30] =	ssyncpa.u1 $0x1  }
0x40: {  	[sflag:s31] =	ssyncpa.u1 $0x1  }
0x41: {  	p0 =	sne.s32 s1, $0x0;
	_ =	strace $0x90000056  }
0x42: {  	s0 =	sadd.s32 @!p0 $0x100000, s0;
	[bflag:$0x2] =	sbarrier.arrive $0xFFFF  }
0x43: {  	[sflag:s0] =	ssyncadd.tile.s32 @!p0 $0x1;
	_ =	shalt  }
.Lfunc_end2:
_tile_overlayer_lowered:
.L_overlay_start_2:
0x44: {  	(tag) =	ssettag $0x2  }
0x45: {  	s0 =	rddreg [dreg:$0x0];
	s2 =	stileid.u32  }
0x46: {  	s1 =	rddreg [dreg:$0x1];
	p0 =	sne.s32 s2, $0x0  }
0x47: {  	s3 =	rddreg [dreg:$0x2];
	[bflag:$0x3] =	sbarrier.arrive $0xFFFF;
	s2 =	simm.s32 @!p0 $0x1C01  }
0x48: {  	[timem:s3], [sflag:s2] =	dma.local @!p0 [hbm:s0], s1  }
0x49: {  	s0 =	simm.s32 @!p0 $0x1  }
0x4a: {  	_ =	swait.ge @!p0 [sflag:s0], s1  }
0x4b: {  	s1 =	ssub.s32 @!p0 $0x0, s1;
	[sflag:s0] =	ssyncset.done @!p0 $0x0  }
0x4c: {  	[sflag:s0] =	ssyncadd.s32 @!p0 s1  }
0x4d: {  	[bflag:$0x3] =	sbarrier.arrive $0xFFFF  }
0x4e: {  	_ =	shalt  }

// kernel: scatter_offload_async_start.1
scs
__scs_entry_jumppad:
0x0: {  	(pc) =	sbr.rel $0x88, $3  }
0x1: {  	(tag) =	ssettag $0x0;
	lr =	simm.s32 $0x1  }
0x2: {  	[smem:$0x3F82] =	sst lr;
	_ =	strace $0xD0000000  }
0x3: {  	_ = 	snop  }
0x4: {  	_ = 	snop  }
0x5: {  	_ = 	snop  }
0x6: {  	_ = 	snop  }
0x7: {  	_ = 	snop  }
__scs_overlays_trampoline_lowered:
0x8: {  	[smem:$0x3F91] =	sst s0  }
0x9: {  	[smem:$0x3F92] =	sst s1  }
0xa: {  	[smem:$0x3F93] =	sst s2  }
0xb: {  	[smem:$0x3F94] =	sst s3  }
0xc: {  	[smem:$0x3F95] =	sst s4  }
0xd: {  	[smem:$0x3F96] =	sst s5  }
0xe: {  	[smem:$0x3F97] =	sst s6  }
0xf: {  	[smem:$0x3F98] =	sst s7  }
0x10: {  	[smem:$0x3F99] =	sst s8  }
0x11: {  	[smem:$0x3F9A] =	sst s9;
	s0 =	simm.s32 @!p0 $0x0  }
0x12: {  	s1 =	sld [smem:$0x3F80];
	s0 =	simm.s32 @p0 $0x1  }
0x13: {  	[smem:$0x3F9B] =	sst s0;
	s0 =	simm.s32 @!p1 $0x0  }
0x14: {  	s2 =	sld [smem:$0x3F7F];
	s0 =	simm.s32 @p1 $0x1  }
0x15: {  	[smem:$0x3F9C] =	sst s0;
	s0 =	simm.s32 @!p2 $0x0  }
0x16: {  	s3 =	sld [smem:$0x3FDB];
	s0 =	simm.s32 @p2 $0x1  }
0x17: {  	s4 =	simm.s32 $0x1BF5;
	[smem:$0x3F9E] =	sst s0  }
0x18: {  	s0 =	sld [smem:$0x3F81];
	_ =	swait.ge [sflag:s4], $0x0  }
0x19: {  	s7 =	sld [smem:$0x3F82]  }
0x1a: {  	s8 =	sadd.s32 $0xFFFFE003, lr  }
0x1b: {  	s9 =	sadd.s32 $0xFFFFFEF7, lr;
	s5 =	simm.s32 $0xFFFFFFFF;
	p2 =	slt.u32 s8, $0xFFFFF086  }
0x1c: {  	p1 =	slt.u32 s9, $0xF7A;
	s5 =	simm.s32 @!p2 $0x0  }
0x1d: {  	s5 =	simm.s32 @p1 $0x1;
	p0 =	seq.s32 s7, s2  }
0x1e: {  	s7 =	smul.u32 @!p0 $0xF7A, s2;
	p2 =	seq.s32 @!p0 s5, $0x0  }
0x1f: {  	s9 =	smul.u32 $0xF7A, s1;
	s8 =	simm.s32 @!p0 $0x1BF5;
	p2 =	por !p2, p0  }
0x20: {  	[sflag:s8] =	ssyncset.s32 @!p0 $0xFFFFF086;
	s6 =	sadd.s32 @!p0 s3, s7;
	s7 =	simm.s32 @!p0 $0x108  }
0x21: {  	s3 =	sadd.s32 s3, s9;
	s6 =	sadd.s32 @!p0 $0x88, s6;
	s7 =	simm.s32 @p2 $0x1082  }
0x22: {  	[simem:s7], [sflag:s8] =	dma.local @!p0 [hbm:s6], $0xF7A  }
0x23: {  	s9 =	sor.u32 $0xD0000000, s2;
	s6 =	simm.s32 $0x108;
	_ =	swait.ge @!p0 [sflag:s8], $0x0  }
0x24: {  	s3 =	sadd.s32 $0x88, s3;
	s6 =	simm.s32 @!p1 $0x1082;
	[sflag:s4] =	ssyncset.s32 $0xFFFFF086  }
0x25: {  	[simem:s6], [sflag:s4] =	dma.local [hbm:s3], $0xF7A  }
0x26: {  	[smem:$0x3F82] =	sst s1;
	(tag) =	ssettag s2;
	_ =	strace s9  }
0x27: {  	s1 =	sld [smem:$0x3F92]  }
0x28: {  	s2 =	sld [smem:$0x3F93]  }
0x29: {  	s4 =	sld [smem:$0x3F95]  }
0x2a: {  	p0 =	seq.s32 s5, $0x0;
	s5 =	sld [smem:$0x3F96]  }
0x2b: {  	s6 =	sld [smem:$0x3F97]  }
0x2c: {  	s7 =	sld [smem:$0x3F98]  }
0x2d: {  	s3 =	simm.s32 $0x108;
	s8 =	sld [smem:$0x3F99]  }
0x2e: {  	s3 =	simm.s32 @!p0 $0x1082;
	s9 =	sld [smem:$0x3F9A]  }
0x2f: {  	lr =	sadd.s32 s0, s3;
	s0 =	sld [smem:$0x3F91]  }
0x30: {  	s3 =	sld [smem:$0x3F94]  }
0x31: {  	[smem:$0x3F9D] =	sst s10  }
0x32: {  	s10 =	sld [smem:$0x3F9B];
	_ =	sdelay $0x3  }
0x33: {  	p0 =	seq.s32 s10, $0x1;
	s10 =	sld [smem:$0x3F9D];
	_ =	sdelay $0x3  }
0x34: {  	[smem:$0x3F9D] =	sst s10  }
0x35: {  	s10 =	sld [smem:$0x3F9C];
	_ =	sdelay $0x3  }
0x36: {  	p1 =	seq.s32 s10, $0x1;
	s10 =	sld [smem:$0x3F9D];
	_ =	sdelay $0x3  }
0x37: {  	[smem:$0x3F9D] =	sst s10  }
0x38: {  	s10 =	sld [smem:$0x3F9E]  }
0x39: {  	_ = 	snop;
	(pc) =	sbr.ind lr, $3  }
0x3a: {  	_ = 	snop  }
0x3b: {  	_ = 	snop  }
0x3c: {  	p2 =	seq.s32 s10, $0x1;
	s10 =	sld [smem:$0x3F9D]  }
0x3d: {  	_ =	shalt  }
0x3e: {  	_ =	shalt  }
0x3f: {  	_ =	shalt  }
0x40: {  	_ =	shalt  }
0x41: {  	_ =	shalt  }
0x42: {  	_ =	shalt  }
0x43: {  	_ =	shalt  }
0x44: {  	_ =	shalt  }
0x45: {  	_ =	shalt  }
0x46: {  	_ =	shalt  }
0x47: {  	_ =	shalt  }
0x48: {  	_ =	shalt  }
0x49: {  	_ =	shalt  }
0x4a: {  	_ =	shalt  }
0x4b: {  	_ =	shalt  }
0x4c: {  	_ =	shalt  }
0x4d: {  	_ =	shalt  }
0x4e: {  	_ =	shalt  }
0x4f: {  	_ =	shalt  }
0x50: {  	_ =	shalt  }
0x51: {  	_ =	shalt  }
0x52: {  	_ =	shalt  }
0x53: {  	_ =	shalt  }
0x54: {  	_ =	shalt  }
0x55: {  	_ =	shalt  }
0x56: {  	_ =	shalt  }
0x57: {  	_ =	shalt  }
0x58: {  	_ =	shalt  }
0x59: {  	_ =	shalt  }
0x5a: {  	_ =	shalt  }
0x5b: {  	_ =	shalt  }
0x5c: {  	_ =	shalt  }
0x5d: {  	_ =	shalt  }
0x5e: {  	_ =	shalt  }
0x5f: {  	_ =	shalt  }
0x60: {  	_ =	shalt  }
0x61: {  	_ =	shalt  }
0x62: {  	_ =	shalt  }
0x63: {  	_ =	shalt  }
0x64: {  	_ =	shalt  }
0x65: {  	_ =	shalt  }
0x66: {  	_ =	shalt  }
0x67: {  	_ =	shalt  }
0x68: {  	_ =	shalt  }
0x69: {  	_ =	shalt  }
0x6a: {  	_ =	shalt  }
0x6b: {  	_ =	shalt  }
0x6c: {  	_ =	shalt  }
0x6d: {  	_ =	shalt  }
0x6e: {  	_ =	shalt  }
0x6f: {  	_ =	shalt  }
0x70: {  	_ =	shalt  }
0x71: {  	_ =	shalt  }
0x72: {  	_ =	shalt  }
0x73: {  	_ =	shalt  }
0x74: {  	_ =	shalt  }
0x75: {  	_ =	shalt  }
0x76: {  	_ =	shalt  }
0x77: {  	_ =	shalt  }
0x78: {  	_ =	shalt  }
0x79: {  	_ =	shalt  }
0x7a: {  	_ =	shalt  }
0x7b: {  	_ =	shalt  }
0x7c: {  	_ =	shalt  }
0x7d: {  	_ =	shalt  }
0x7e: {  	_ =	shalt  }
0x7f: {  	_ =	shalt  }
0x80: {  	_ =	shalt  }
0x81: {  	_ =	shalt  }
0x82: {  	_ =	shalt  }
0x83: {  	_ =	shalt  }
0x84: {  	_ =	shalt  }
0x85: {  	_ =	shalt  }
0x86: {  	_ =	shalt  }
0x87: {  	_ =	shalt  }
.Lfunc_end0:
.L_simem_size_0:
called_computation.1_lowered:
.L_overlay_start_0:
0x88: {  	s0 =	sld [smem:$0x3FD9]  }
0x89: {  	s1 =	sld [smem:$0x3FFE];
	_ =	sdelay $0x3  }
0x8a: {  	s0 =	sadd.s32 s1, s0  }
0x8b: {  	[smem:$0x3FA9] =	sst s0  }
0x8c: {  	_ = 	snop  }
0x8d: {  	(tm) =	ssettm $0x1  }
0x8e: {  	s14 =	sld [smem:$0x3FFB];
	_ =	sdelay $0x3  }
0x8f: {  	_ =	strace s14  }
0x90: {  	s0 =	sld [smem:$0x3FFC];
	_ =	sdelay $0x3  }
0x91: {  	_ =	strace s0  }
0x92: {  	s0 =	sld [smem:$0x3FFD];
	_ =	sdelay $0x3  }
0x93: {  	_ =	strace s0  }
0x94: {  	_ =	strace $0x8FFFFFFF  }
0x95: {  	s15 =	sld [smem:$0x3FDB];
	_ =	sdelay $0x1  }
0x96: {  	s16 =	simm.s32 $_scs_section_size  }
0x97: {  	s2 =	simm.s32 $_size__tile_overlayer_lowered;
	s3 =	simm.s32 $_tile_overlayer_lowered  }
0x98: {  	s4 =	simm.s32 $0x1BFF;
	s17 =	sshll.u32 s3, $0x1;
	s1 =	sadd.s32 s16, s15  }
0x99: {  	s18 =	simm.s32 $0x0;
	s2 =	sshll.u32 s2, $0x1;
	s3 =	sadd.s32 s17, s1  }
0x9a: {  	[timem:s18], [sflag:s4] =	dma.local [hbm:s3], s2  }
0x9b: {  	_ =	swait.ge [sflag:s4], s2  }
0x9c: {  	s2 =	ssub.s32 $0x0, s2;
	[sflag:s4] =	ssyncset.done $0x0  }
0x9d: {  	[sflag:s4] =	ssyncadd.s32 s2;
	_ =	sdelay $0x1  }
0x9e: {  	s19 =	simm.s32 $0x1B8B  }
0x9f: {  	_ =	swait.ge [sflag:s19], $0x1  }
0xa0: {  	[sflag:s19] =	ssyncset.done $0x0  }
0xa1: {  	s21 =	simm.s32 $0x1B8E;
	s20 =	sld [smem:$0x3FFE];
	[sflag:s19] =	ssyncadd.s32 $0xFFFFFFFF  }
0xa2: {  	s22 =	simm.s32 $execute0_lowered;
	[smem:$0x3FD2] =	sst s21  }
0xa3: {  	s3 =	sshll.u32 s22, $0x1;
	_ =	strace $0x8000004F;
	[dreg:$0x1] =	wrdreg $0xFFFFFFFF  }
0xa4: {  	s23 =	simm.s32 $_size_execute0_lowered;
	s3 =	sadd.s32 s1, s3;
	[dreg:$0x0] =	wrdreg $0x0  }
0xa5: {  	s4 =	sshll.u32 s23, $0x1;
	[dreg:$0x2] =	wrdreg s3  }
0xa6: {  	[dreg:$0x3] =	wrdreg s4  }
0xa7: {  	[dreg:$0x4] =	wrdreg $0xC0  }
0xa8: {  	s24 =	simm.s32 $execute1_lowered;
	_ =	task [dreg:s18], $0x5FFFF  }
0xa9: {  	s3 =	sshll.u32 s24, $0x1;
	[dreg:$0x1] =	wrdreg $0xFFFFFFFF  }
0xaa: {  	s1 =	sadd.s32 s1, s3;
	[dreg:$0x0] =	wrdreg $0x60  }
0xab: {  	[dreg:$0x2] =	wrdreg s1  }
0xac: {  	[dreg:$0x3] =	wrdreg s20  }
0xad: {  	[dreg:$0x4] =	wrdreg $0x9  }
0xae: {  	_ =	task.clear_ibuf [dreg:s18], $0x5FFFF;
	_ =	strace $0x9000004F  }
0xaf: {  	s25 =	simm.s32 $0x9;
	_ =	strace $0x80000051  }
0xb0: {  	_ =	swait.ge [sflag:s25], $0x1  }
0xb1: {  	[sflag:s25] =	ssyncadd.s32 $0xFFFFFFFF  }
0xb2: {  	_ =	strace $0x90000051  }
0xb3: {  	_ =	strace $0x80000052;
	[dreg:$0x1] =	wrdreg $0xFFFFFFFF  }
0xb4: {  	[dreg:$0x0] =	wrdreg $0x2030  }
0xb5: {  	[dreg:$0x2] =	wrdreg s20  }
0xb6: {  	[dreg:$0x3] =	wrdreg $0xA  }
0xb7: {  	_ =	task.clear_ibuf [dreg:s18], $0x4FFFF;
	_ =	strace $0x90000052  }
0xb8: {  	s26 =	simm.s32 $0xA;
	_ =	strace $0x80000054  }
0xb9: {  	_ =	swait.ge [sflag:s26], $0x1  }
0xba: {  	[sflag:s26] =	ssyncadd.s32 $0xFFFFFFFF  }
0xbb: {  	_ =	strace $0x90000054  }
0xbc: {  	_ =	sfence  }
0xbd: {  	s28 =	sld [smem:$0x0];
	_ =	sdelay $0x1  }
0xbe: {  	s29 =	srdreg.scid  }
0xbf: {  	s30 =	sshll.u32 s29, $0xD;
	s31 =	sshrl.u32 s29, $0x2  }
0xc0: {  	s2 =	sand.u32 $0x1, s29;
	s3 =	sand.u32 $0x4000, s30;
	s1 =	sadd.s32 s31, s28  }
0xc1: {  	s2 =	sor.u32 s3, s2;
	s1 =	sshll.u32 s1, $0x11  }
0xc2: {  	s1 =	sor.u32 s1, s2  }
0xc3: {  	s1 =	sadd.s32 $0x8F2B, s1  }
0xc4: {  	[sflag:s1] =	ssyncadd.remote.s32 $0x1  }
0xc5: {  	_ =	sfence.sel $0xFFFF  }
0xc6: {  	[dreg:$0x0] =	wrdreg $0xFFFFFFFF;
	(pc) =	sbr.abs _section_cstart, $3  }
0xc7: {  	[dreg:$0x1] =	wrdreg $0xFFFFFFFF  }
0xc8: {  	_ =	task.clear_ibuf [dreg:s18], $0x2FFFF;
	_ =	strace $0x9FFFFFFF  }
0xc9: {  	(tm) =	ssettm $0x7FFFFFFF  }
tec
execute0_lowered:
.L_overlay_start_1:
0x0: {  	(tag) =	ssettag $0x1  }
0x1: {  	s3 =	rddreg [dreg:$0x0]  }
0x2: {  	s6 =	rddreg [dreg:$0x1]  }
0x3: {  	s0 =	rddreg [dreg:$0x2]  }
0x4: {  	s2 =	stileid.u32;
	[bflag:$0x3] =	sbarrier.arrive $0xFFFF;
	s1 =	simm.s32 $_size_execute1_lowered  }
0x5: {  	p0 =	sne.s32 s2, $0x0;
	s1 =	sshll.u32 s1, $0x1;
	s31 =	sshll.u32 s2, $0x3  }
0x6: {  	s4 =	simm.s32 @!p0 $0x1C3F;
	s5 =	simm.s32 @!p0 $0x4060;
	s7 =	ssub.s32 $0x40, s31  }
0x7: {  	[timem:s5], [sflag:s4] =	dma.local @!p0 [hbm:s3], s1  }
0x8: {  	p1 =	sgt.s32 s7, $0x0  }
0x9: {  	s7 =	simm.s32 @!p1 $0x0  }
0xa: {  	s7 =	sand.u32 $0x78, s7  }
0xb: {  	s10 =	simm.s32 $0x3;
	p1 =	sne.s32 s7, $0x0  }
0xc: {  	s10 =	simm.s32 @!p1 $0x2  }
0xd: {  	p3 =	sne.s32 s10, $0x1  }
.Ltmp0:
0xe: {  	s9 =	simm.s32 $0x0;
	s8 =	simm.s32 $0x1;
	(pc) =	sbr.rel @!p3 .LBB2_1-.Ltmp0, $4  }
0xf: {  	s13 =	simm.s32 $0xFFFFFFFF;
	s3 =	simm.s32 $0x1;
	s4 =	simm.s32 $0x2  }
0x10: {  	s5 =	sadd.s32 $0xAD000, s6;
	_ =	strace $0x80000050;
	s7 =	simm.s32 $0x1  }
0x11: {  	s6 =	sadd.s32 s2, s6;
	[sflag:s3] =	ssyncpa.u1 $0x0;
	s7 =	simm.s32 @!p1 $0x0  }
0x12: {  	[sflag:s4] =	ssyncpa.u1 $0x0;
	p1 =	por $0x0, $0x0;
	p2 =	sle.u32 s7, $0x0  }
0x13: {  	p1 =	sle.u32 s7, $0xFFFFFFFF  }
0x14: {  	s11 =	simm.s32 @!p2 $0x8;
	s12 =	simm.s32 @!p2 $0x0;
	s13 =	simm.s32 @!p1 $0x1  }
0x15: {  	[tilespmem:s11], [sflag:$0x1] =	stream.linear.gather @!p2 [hbm4b:s6+s12], $0x8, $0x38;
	[tilespmem:$0x20] =	vst v63  }
0x16: {  	_ =	swait.ge @!p1 [sflag:s13], $0x8  }
0x17: {  	[sflag:s13] =	ssyncset.done @!p1 $0x0  }
0x18: {  	s9 =	sand.u32 @!p1 $0x8, s9;
	[sflag:s13] =	ssyncadd.s32 @!p1 $0xFFFFFFF8  }
0x19: {  	v0 =	vld.msk @!p1 [tilespmem:s9+$0x0], $0xff;
	_ =	sdelay $0x2  }
0x1a: {  	p4 =	sne.s32 s10, $0x2  }
.Ltmp1:
0x1b: {  	p3 =	por $0x1, $0x1;
	s9 =	sor.u32 @!p1 $0x10, s9;
	(pc) =	sbr.rel @!p4 .LBB2_4-.Ltmp1, $4  }
0x1c: {  	s11 =	simm.s32 $0x2;
	s12 =	sadd.s32 @!p1 s5, s2;
	s13 =	simm.s32 @!p1 $0x0;
	[tilespmem:s9+$0x0] =	vst.msk @!p1 $0xff, v0  }
0x1d: {  	[hbm4b:s12+s13] =	stream.linear.scatter @!p1 [tilespmem:s9], [sflag:$0x2], $0x8, $0x38;
	[tilespmem:$0x20] =	vst v63  }
0x1e: {  	p2 =	sle.u32 s7, $0x1;
	s12 =	simm.s32 @!p3 $0x2;
	s9 =	simm.s32 $0x8  }
0x1f: {  	s13 =	simm.s32 $0x0;
	p1 =	por $0x1, $0x1;
	_ =	swait.ge @!p3 [sflag:s12], $0x8  }
.LBB2_3:
0x20: {  	s14 =	simm.s32 @!p2 $0x8;
	p4 =	sge.u32 s13, s7;
	[sflag:s12] =	ssyncset.done @!p3 $0x0  }
0x21: {  	s13 =	simm.s32 @!p2 $0x0;
	s15 =	simm.s32 @!p4 $0x1;
	[sflag:s12] =	ssyncadd.s32 @!p3 $0xFFFFFFF8  }
0x22: {  	[tilespmem:s14], [sflag:$0x1] =	stream.linear.gather @!p2 [hbm4b:s6+s13], $0x8, $0x38;
	[tilespmem:$0x20] =	vst v63  }
0x23: {  	s13 =	smov.u32 s11;
	s11 =	sadd.s32 $0x1, s11;
	_ =	swait.ge @!p4 [sflag:s15], $0x8  }
0x24: {  	s12 =	sand.u32 @!p4 $0x8, s9;
	p5 =	sne.s32 s11, s10;
	[sflag:s15] =	ssyncset.done @!p4 $0x0  }
0x25: {  	[sflag:s15] =	ssyncadd.s32 @!p4 $0xFFFFFFF8  }
0x26: {  	v0 =	vld.msk @!p4 [tilespmem:s12+$0x0], $0xff;
	_ =	sdelay $0x2  }
.Ltmp2:
0x27: {  	s14 =	sor.u32 @!p4 $0x10, s12;
	(pc) =	sbr.rel @p5 .LBB2_3-.Ltmp2, $4  }
0x28: {  	s16 =	simm.s32 @!p4 $0x0;
	p3 =	slt.u32 s8, $0x2;
	s15 =	sadd.s32 @!p4 s5, s2  }
0x29: {  	s9 =	sadd.s32 $0x8, s9;
	s8 =	smov.u32 s13;
	s12 =	simm.s32 @!p3 $0x2;
	[tilespmem:s14+$0x0] =	vst.msk @!p4 $0xff, v0  }
0x2a: {  	[hbm4b:s15+s16] =	stream.linear.scatter @!p4 [tilespmem:s14], [sflag:$0x2], $0x8, $0x38;
	[tilespmem:$0x20] =	vst v63  }
0x2b: {  	p2 =	sge.u32 s8, s7;
	s13 =	sadd.s32 $0xFFFFFFFF, s8;
	_ =	swait.ge @!p3 [sflag:s12], $0x8  }
.LBB2_4:
0x2c: {  	p3 =	por p3, !p1  }
0x2d: {  	s10 =	simm.s32 @!p2 $0x8;
	p1 =	sge.u32 s13, s7;
	[sflag:s12] =	ssyncset.done @!p3 $0x0  }
0x2e: {  	s7 =	simm.s32 @!p2 $0x0;
	s11 =	simm.s32 @!p1 $0x1;
	[sflag:s12] =	ssyncadd.s32 @!p3 $0xFFFFFFF8  }
0x2f: {  	[tilespmem:s10], [sflag:$0x1] =	stream.linear.gather @!p2 [hbm4b:s6+s7], $0x8, $0x38;
	[tilespmem:$0x20] =	vst v63  }
0x30: {  	_ =	swait.ge @!p1 [sflag:s11], $0x8  }
0x31: {  	[sflag:s11] =	ssyncset.done @!p1 $0x0  }
0x32: {  	s6 =	sand.u32 @!p1 $0x8, s9;
	[sflag:s11] =	ssyncadd.s32 @!p1 $0xFFFFFFF8  }
0x33: {  	v0 =	vld.msk @!p1 [tilespmem:s6+$0x0], $0xff;
	_ =	sdelay $0x3  }
0x34: {  	p2 =	slt.u32 s8, $0x2;
	s6 =	sor.u32 @!p1 $0x10, s6  }
0x35: {  	s2 =	sadd.s32 @!p1 s5, s2;
	s5 =	simm.s32 @!p1 $0x0;
	s7 =	simm.s32 @!p2 $0x2;
	[tilespmem:s6+$0x0] =	vst.msk @!p1 $0xff, v0  }
0x36: {  	[hbm4b:s2+s5] =	stream.linear.scatter @!p1 [tilespmem:s6], [sflag:$0x2], $0x8, $0x38;
	[tilespmem:$0x20] =	vst v63  }
0x37: {  	_ =	swait.ge @!p2 [sflag:s7], $0x8  }
0x38: {  	[sflag:s7] =	ssyncset.done @!p2 $0x0  }
0x39: {  	[sflag:s7] =	ssyncadd.s32 @!p2 $0xFFFFFFF8  }
0x3a: {  	_ =	sfence.sel $0x180000  }
0x3b: {  	[bflag:$0x0] =	sbarrier.arrive $0xFFFF  }
0x3c: {  	[sflag:s3] =	ssyncpa.u1 $0x1  }
0x3d: {  	[sflag:s4] =	ssyncpa.u1 $0x1  }
0x3e: {  	_ =	strace $0x90000050  }
0x3f: {  	s0 =	sadd.s32 @!p0 $0x100000, s0;
	[bflag:$0x2] =	sbarrier.arrive $0xFFFF  }
0x40: {  	[sflag:s0] =	ssyncadd.tile.s32 @!p0 $0x1;
	s0 =	simm.s32 @!p0 $0x3F  }
0x41: {  	_ =	swait.ge @!p0 [sflag:s0], s1  }
0x42: {  	s1 =	ssub.s32 @!p0 $0x0, s1;
	[sflag:s0] =	ssyncset.done @!p0 $0x0  }
0x43: {  	[sflag:s0] =	ssyncadd.s32 @!p0 s1  }
0x44: {  	[bflag:$0x3] =	sbarrier.arrive $0xFFFF  }
0x45: {  	_ =	shalt  }
.LBB2_1:
.Ltmp3:
0x46: {  	(pc) =	sbr.rel .LBB2_4-.Ltmp3, $2  }
0x47: {  	_ =	sdelay $0x2  }
0x48: {  	s8 =	simm.s32 $0x0  }
.Lfunc_end2:
execute1_lowered:
.L_overlay_start_2:
0x49: {  	(tag) =	ssettag $0x2  }
0x4a: {  	s2 =	rddreg [dreg:$0x0]  }
0x4b: {  	s0 =	rddreg [dreg:$0x1];
	_ =	strace $0x80000053;
	s3 =	stileid.u32  }
0x4c: {  	s4 =	simm.s32 $0x3E;
	s1 =	sadd.s32 $0xAD000, s2;
	p0 =	sne.s32 s3, $0x0  }
0x4d: {  	[sflag:s4] =	ssyncpa.u1 $0x0;
	s5 =	simm.s32 @!p0 $0x1C3E;
	s6 =	simm.s32 @!p0 $0x0  }
0x4e: {  	[spmem:s6], [sflag:s5] =	dma.local @!p0 [hbm:s1], $0x10  }
0x4f: {  	s5 =	simm.s32 @!p0 $0x3E  }
0x50: {  	_ =	swait.ge @!p0 [sflag:s5], $0x10  }
0x51: {  	[sflag:s5] =	ssyncset.done @!p0 $0x0  }
0x52: {  	s26 =	simm.s32 $0x1;
	[sflag:s5] =	ssyncadd.s32 @!p0 $0xFFFFFFF0  }
0x53: {  	s28 =	simm.s32 $0x2;
	s7 =	simm.s32 $0x288;
	[bflag:$0x0] =	sbarrier.arrive $0xFFFF  }
0x54: {  	s3 =	smul.u32 $0x50, s3;
	s29 =	sadd.s32 $0xB9000, s2;
	[sflag:s4] =	ssyncpa.u1 $0x1  }
0x55: {  	s30 =	sadd.s32 $0xA2600, s2;
	s2 =	simm.s32 $0x0;
	[sflag:s26] =	ssyncpa.u1 $0x0  }
0x56: {  	s5 =	sadd.s32 s29, s3;
	(ifvalue) =	ssetifvalue $0x80;
	[sflag:s28] =	ssyncpa.u1 $0x0  }
0x57: {  	[tilespmem:s7], [sflag:$0x2] =	stream.linear.gather [hbm4b:s5+s2], $0x280, $0x38;
	[tilespmem:$0xA08] =	vst v63  }
0x58: {  	s31 =	sadd.s32 s30, s3;
	s3 =	simm.s32 $0x788  }
0x59: {  	[tilespmem:s3], [sflag:$0x2] =	stream.linear.gather [hbm4b:s31+s2], $0x280, $0x38;
	[tilespmem:$0xA08] =	vst v63  }
0x5a: {  	_ =	swait.ge [sflag:s28], $0x500  }
0x5b: {  	[sflag:s28] =	ssyncset.done $0x0  }
0x5c: {  	[sflag:s28] =	ssyncadd.s32 $0xFFFFFB00  }
0x5d: {  	v0 =	vld.msk [tilespmem:s7+$0x0 ss:$0x1], $0xffff;
	_ =	sdelay $0x4  }
0x5e: {  	v0 =	vmin.u32 v0, $0x80;
	_ =	sdelay $0x3  }
0x5f: {  	vm0 =	vmmov $0xffff;
	s4 =	simm.s32 $0x0;
	s5 =	simm.s32 $0x298  }
0x60: {  	[spmem:s2] =	stream.indirect_vreg.scatter.add.s32 [tilespmem:s3], [sflag:$0x1], $0x1, v0, vm0, $0x4038;
	[tilespmem:$0xA08] =	vst v63  }
.LBB3_1:
0x61: {  	v0 =	vld.msk [tilespmem:s5+$0x0 ss:$0x1], $0xffff;
	s4 =	sadd.s32 $0x10, s4  }
0x62: {  	p1 =	slt.u32 s4, $0x270;
	_ =	sdelay $0x4  }
0x63: {  	v0 =	vmin.u32 v0, $0x80  }
.Ltmp4:
0x64: {  	(pc) =	sbr.rel @p1 .LBB3_1-.Ltmp4, $3  }
0x65: {  	_ =	sdelay $0x1  }
0x66: {  	s5 =	sadd.s32 $0x10, s5;
	s3 =	sadd.s32 $0x10, s3  }
0x67: {  	[spmem:s2] =	stream.indirect_vreg.scatter.add.s32 [tilespmem:s3], [sflag:$0x1], $0x1, v0, vm0, $0x4038;
	[tilespmem:$0xA08] =	vst v63  }
0x68: {  	s2 =	simm.s32 $0x1  }
0x69: {  	_ =	swait.ge [sflag:s2], $0x280  }
0x6a: {  	[sflag:s2] =	ssyncset.done $0x0  }
0x6b: {  	[sflag:s2] =	ssyncadd.s32 $0xFFFFFD80  }
0x6c: {  	_ =	sfence.sel $0x180000  }
0x6d: {  	s3 =	simm.s32 $0x2;
	[bflag:$0x0] =	sbarrier.arrive $0xFFFF  }
0x6e: {  	[sflag:s3] =	ssyncpa.u1 $0x1  }
0x6f: {  	[sflag:s2] =	ssyncpa.u1 $0x1  }
0x70: {  	_ =	sfence.stream.spmem  }
0x71: {  	s31 =	simm.s32 $0x3D;
	[bflag:$0x0] =	sbarrier.arrive $0xFFFF  }
0x72: {  	s2 =	simm.s32 @p0 $0x3D;
	[sflag:s31] =	ssyncpa.u1 $0x0  }
0x73: {  	[sflag:s2] =	ssyncpa.u1 @p0 $0x1  }
0x74: {  	[bflag:$0x0] =	sbarrier.arrive @p0 $0xFFFF  }
0x75: {  	_ =	strace @p0 $0x90000053  }
0x76: {  	s3 =	simm.s32 @!p0 $0x1C3D;
	s2 =	simm.s32 @!p0 $0x0;
	[bflag:$0x2] =	sbarrier.arrive @p0 $0xFFFF  }
0x77: {  	[hbm:s1], [sflag:s3] =	dma.local @!p0 [spmem:s2], $0x10  }
0x78: {  	s1 =	simm.s32 @!p0 $0x3D  }
0x79: {  	_ =	swait.ge @!p0 [sflag:s1], $0x10  }
0x7a: {  	[sflag:s1] =	ssyncset.done @!p0 $0x0  }
0x7b: {  	[sflag:s1] =	ssyncadd.s32 @!p0 $0xFFFFFFF0  }
0x7c: {  	[sflag:s1] =	ssyncpa.u1 @!p0 $0x1  }
0x7d: {  	[bflag:$0x0] =	sbarrier.arrive @!p0 $0xFFFF  }
0x7e: {  	_ =	strace @!p0 $0x90000053  }
0x7f: {  	s0 =	sadd.s32 @!p0 $0x100000, s0;
	[bflag:$0x2] =	sbarrier.arrive @!p0 $0xFFFF  }
0x80: {  	[sflag:s0] =	ssyncadd.tile.s32 @!p0 $0x1;
	_ =	shalt  }
.Lfunc_end3:
_tile_overlayer_lowered:
.L_overlay_start_3:
0x81: {  	(tag) =	ssettag $0x3  }
0x82: {  	s0 =	rddreg [dreg:$0x0];
	s2 =	stileid.u32  }
0x83: {  	s1 =	rddreg [dreg:$0x1];
	p0 =	sne.s32 s2, $0x0  }
0x84: {  	s3 =	rddreg [dreg:$0x2];
	[bflag:$0x3] =	sbarrier.arrive $0xFFFF;
	s2 =	simm.s32 @!p0 $0x1C01  }
0x85: {  	[timem:s3], [sflag:s2] =	dma.local @!p0 [hbm:s0], s1  }
0x86: {  	s0 =	simm.s32 @!p0 $0x1  }
0x87: {  	_ =	swait.ge @!p0 [sflag:s0], s1  }
0x88: {  	s1 =	ssub.s32 @!p0 $0x0, s1;
	[sflag:s0] =	ssyncset.done @!p0 $0x0  }
0x89: {  	[sflag:s0] =	ssyncadd.s32 @!p0 s1  }
0x8a: {  	[bflag:$0x3] =	sbarrier.arrive $0xFFFF  }
0x8b: {  	_ =	shalt  }

// kernel: scatter_offload_async_start.2
scs
__scs_entry_jumppad:
0x0: {  	(pc) =	sbr.rel $0x88, $3  }
0x1: {  	(tag) =	ssettag $0x0;
	lr =	simm.s32 $0x1  }
0x2: {  	[smem:$0x3F82] =	sst lr;
	_ =	strace $0xD0000000  }
0x3: {  	_ = 	snop  }
0x4: {  	_ = 	snop  }
0x5: {  	_ = 	snop  }
0x6: {  	_ = 	snop  }
0x7: {  	_ = 	snop  }
__scs_overlays_trampoline_lowered:
0x8: {  	[smem:$0x3F91] =	sst s0  }
0x9: {  	[smem:$0x3F92] =	sst s1  }
0xa: {  	[smem:$0x3F93] =	sst s2  }
0xb: {  	[smem:$0x3F94] =	sst s3  }
0xc: {  	[smem:$0x3F95] =	sst s4  }
0xd: {  	[smem:$0x3F96] =	sst s5  }
0xe: {  	[smem:$0x3F97] =	sst s6  }
0xf: {  	[smem:$0x3F98] =	sst s7  }
0x10: {  	[smem:$0x3F99] =	sst s8  }
0x11: {  	[smem:$0x3F9A] =	sst s9;
	s0 =	simm.s32 @!p0 $0x0  }
0x12: {  	s1 =	sld [smem:$0x3F80];
	s0 =	simm.s32 @p0 $0x1  }
0x13: {  	[smem:$0x3F9B] =	sst s0;
	s0 =	simm.s32 @!p1 $0x0  }
0x14: {  	s2 =	sld [smem:$0x3F7F];
	s0 =	simm.s32 @p1 $0x1  }
0x15: {  	[smem:$0x3F9C] =	sst s0;
	s0 =	simm.s32 @!p2 $0x0  }
0x16: {  	s3 =	sld [smem:$0x3FDB];
	s0 =	simm.s32 @p2 $0x1  }
0x17: {  	s4 =	simm.s32 $0x1BF5;
	[smem:$0x3F9E] =	sst s0  }
0x18: {  	s0 =	sld [smem:$0x3F81];
	_ =	swait.ge [sflag:s4], $0x0  }
0x19: {  	s7 =	sld [smem:$0x3F82]  }
0x1a: {  	s8 =	sadd.s32 $0xFFFFE003, lr  }
0x1b: {  	s9 =	sadd.s32 $0xFFFFFEF7, lr;
	s5 =	simm.s32 $0xFFFFFFFF;
	p2 =	slt.u32 s8, $0xFFFFF086  }
0x1c: {  	p1 =	slt.u32 s9, $0xF7A;
	s5 =	simm.s32 @!p2 $0x0  }
0x1d: {  	s5 =	simm.s32 @p1 $0x1;
	p0 =	seq.s32 s7, s2  }
0x1e: {  	s7 =	smul.u32 @!p0 $0xF7A, s2;
	p2 =	seq.s32 @!p0 s5, $0x0  }
0x1f: {  	s9 =	smul.u32 $0xF7A, s1;
	s8 =	simm.s32 @!p0 $0x1BF5;
	p2 =	por !p2, p0  }
0x20: {  	[sflag:s8] =	ssyncset.s32 @!p0 $0xFFFFF086;
	s6 =	sadd.s32 @!p0 s3, s7;
	s7 =	simm.s32 @!p0 $0x108  }
0x21: {  	s3 =	sadd.s32 s3, s9;
	s6 =	sadd.s32 @!p0 $0x88, s6;
	s7 =	simm.s32 @p2 $0x1082  }
0x22: {  	[simem:s7], [sflag:s8] =	dma.local @!p0 [hbm:s6], $0xF7A  }
0x23: {  	s9 =	sor.u32 $0xD0000000, s2;
	s6 =	simm.s32 $0x108;
	_ =	swait.ge @!p0 [sflag:s8], $0x0  }
0x24: {  	s3 =	sadd.s32 $0x88, s3;
	s6 =	simm.s32 @!p1 $0x1082;
	[sflag:s4] =	ssyncset.s32 $0xFFFFF086  }
0x25: {  	[simem:s6], [sflag:s4] =	dma.local [hbm:s3], $0xF7A  }
0x26: {  	[smem:$0x3F82] =	sst s1;
	(tag) =	ssettag s2;
	_ =	strace s9  }
0x27: {  	s1 =	sld [smem:$0x3F92]  }
0x28: {  	s2 =	sld [smem:$0x3F93]  }
0x29: {  	s4 =	sld [smem:$0x3F95]  }
0x2a: {  	p0 =	seq.s32 s5, $0x0;
	s5 =	sld [smem:$0x3F96]  }
0x2b: {  	s6 =	sld [smem:$0x3F97]  }
0x2c: {  	s7 =	sld [smem:$0x3F98]  }
0x2d: {  	s3 =	simm.s32 $0x108;
	s8 =	sld [smem:$0x3F99]  }
0x2e: {  	s3 =	simm.s32 @!p0 $0x1082;
	s9 =	sld [smem:$0x3F9A]  }
0x2f: {  	lr =	sadd.s32 s0, s3;
	s0 =	sld [smem:$0x3F91]  }
0x30: {  	s3 =	sld [smem:$0x3F94]  }
0x31: {  	[smem:$0x3F9D] =	sst s10  }
0x32: {  	s10 =	sld [smem:$0x3F9B];
	_ =	sdelay $0x3  }
0x33: {  	p0 =	seq.s32 s10, $0x1;
	s10 =	sld [smem:$0x3F9D];
	_ =	sdelay $0x3  }
0x34: {  	[smem:$0x3F9D] =	sst s10  }
0x35: {  	s10 =	sld [smem:$0x3F9C];
	_ =	sdelay $0x3  }
0x36: {  	p1 =	seq.s32 s10, $0x1;
	s10 =	sld [smem:$0x3F9D];
	_ =	sdelay $0x3  }
0x37: {  	[smem:$0x3F9D] =	sst s10  }
0x38: {  	s10 =	sld [smem:$0x3F9E]  }
0x39: {  	_ = 	snop;
	(pc) =	sbr.ind lr, $3  }
0x3a: {  	_ = 	snop  }
0x3b: {  	_ = 	snop  }
0x3c: {  	p2 =	seq.s32 s10, $0x1;
	s10 =	sld [smem:$0x3F9D]  }
0x3d: {  	_ =	shalt  }
0x3e: {  	_ =	shalt  }
0x3f: {  	_ =	shalt  }
0x40: {  	_ =	shalt  }
0x41: {  	_ =	shalt  }
0x42: {  	_ =	shalt  }
0x43: {  	_ =	shalt  }
0x44: {  	_ =	shalt  }
0x45: {  	_ =	shalt  }
0x46: {  	_ =	shalt  }
0x47: {  	_ =	shalt  }
0x48: {  	_ =	shalt  }
0x49: {  	_ =	shalt  }
0x4a: {  	_ =	shalt  }
0x4b: {  	_ =	shalt  }
0x4c: {  	_ =	shalt  }
0x4d: {  	_ =	shalt  }
0x4e: {  	_ =	shalt  }
0x4f: {  	_ =	shalt  }
0x50: {  	_ =	shalt  }
0x51: {  	_ =	shalt  }
0x52: {  	_ =	shalt  }
0x53: {  	_ =	shalt  }
0x54: {  	_ =	shalt  }
0x55: {  	_ =	shalt  }
0x56: {  	_ =	shalt  }
0x57: {  	_ =	shalt  }
0x58: {  	_ =	shalt  }
0x59: {  	_ =	shalt  }
0x5a: {  	_ =	shalt  }
0x5b: {  	_ =	shalt  }
0x5c: {  	_ =	shalt  }
0x5d: {  	_ =	shalt  }
0x5e: {  	_ =	shalt  }
0x5f: {  	_ =	shalt  }
0x60: {  	_ =	shalt  }
0x61: {  	_ =	shalt  }
0x62: {  	_ =	shalt  }
0x63: {  	_ =	shalt  }
0x64: {  	_ =	shalt  }
0x65: {  	_ =	shalt  }
0x66: {  	_ =	shalt  }
0x67: {  	_ =	shalt  }
0x68: {  	_ =	shalt  }
0x69: {  	_ =	shalt  }
0x6a: {  	_ =	shalt  }
0x6b: {  	_ =	shalt  }
0x6c: {  	_ =	shalt  }
0x6d: {  	_ =	shalt  }
0x6e: {  	_ =	shalt  }
0x6f: {  	_ =	shalt  }
0x70: {  	_ =	shalt  }
0x71: {  	_ =	shalt  }
0x72: {  	_ =	shalt  }
0x73: {  	_ =	shalt  }
0x74: {  	_ =	shalt  }
0x75: {  	_ =	shalt  }
0x76: {  	_ =	shalt  }
0x77: {  	_ =	shalt  }
0x78: {  	_ =	shalt  }
0x79: {  	_ =	shalt  }
0x7a: {  	_ =	shalt  }
0x7b: {  	_ =	shalt  }
0x7c: {  	_ =	shalt  }
0x7d: {  	_ =	shalt  }
0x7e: {  	_ =	shalt  }
0x7f: {  	_ =	shalt  }
0x80: {  	_ =	shalt  }
0x81: {  	_ =	shalt  }
0x82: {  	_ =	shalt  }
0x83: {  	_ =	shalt  }
0x84: {  	_ =	shalt  }
0x85: {  	_ =	shalt  }
0x86: {  	_ =	shalt  }
0x87: {  	_ =	shalt  }
.Lfunc_end0:
.L_simem_size_0:
called_computation.2_lowered:
.L_overlay_start_0:
0x88: {  	s0 =	sld [smem:$0x3FD9]  }
0x89: {  	s1 =	sld [smem:$0x3FFE];
	_ =	sdelay $0x3  }
0x8a: {  	s0 =	sadd.s32 s1, s0  }
0x8b: {  	[smem:$0x3FA9] =	sst s0  }
0x8c: {  	_ = 	snop  }
0x8d: {  	(tm) =	ssettm $0x1  }
0x8e: {  	s15 =	sld [smem:$0x3FFB];
	_ =	sdelay $0x3  }
0x8f: {  	_ =	strace s15  }
0x90: {  	s0 =	sld [smem:$0x3FFC];
	_ =	sdelay $0x3  }
0x91: {  	_ =	strace s0  }
0x92: {  	s0 =	sld [smem:$0x3FFD];
	_ =	sdelay $0x3  }
0x93: {  	_ =	strace s0  }
0x94: {  	_ =	strace $0x8FFFFFFF  }
0x95: {  	s16 =	sld [smem:$0x3FDB];
	_ =	sdelay $0x1  }
0x96: {  	s17 =	simm.s32 $_scs_section_size  }
0x97: {  	s2 =	simm.s32 $_size__tile_overlayer_lowered;
	s3 =	simm.s32 $_tile_overlayer_lowered  }
0x98: {  	s20 =	simm.s32 $0x1BFF;
	s19 =	sshll.u32 s3, $0x1;
	s0 =	sadd.s32 s17, s16  }
0x99: {  	s4 =	simm.s32 $0x0;
	s18 =	sshll.u32 s2, $0x1;
	s2 =	sadd.s32 s19, s0  }
0x9a: {  	[timem:s4], [sflag:s20] =	dma.local [hbm:s2], s18  }
0x9b: {  	_ =	swait.ge [sflag:s20], s18  }
0x9c: {  	s1 =	ssub.s32 $0x0, s18;
	[sflag:s20] =	ssyncset.done $0x0  }
0x9d: {  	[sflag:s20] =	ssyncadd.s32 s1;
	_ =	sdelay $0x1  }
0x9e: {  	s21 =	simm.s32 $0x1B8B  }
0x9f: {  	_ =	swait.ge [sflag:s21], $0x1  }
0xa0: {  	[sflag:s21] =	ssyncset.done $0x0  }
0xa1: {  	s23 =	simm.s32 $0x1B8E;
	s22 =	sld [smem:$0x3FFE];
	[sflag:s21] =	ssyncadd.s32 $0xFFFFFFFF  }
0xa2: {  	s24 =	simm.s32 $execute0_lowered;
	[smem:$0x3FD2] =	sst s23  }
0xa3: {  	s2 =	sshll.u32 s24, $0x1;
	_ =	strace $0x80000058;
	[dreg:$0x1] =	wrdreg $0xFFFFFFFF  }
0xa4: {  	s25 =	simm.s32 $_size_execute0_lowered;
	s0 =	sadd.s32 s0, s2;
	[dreg:$0x0] =	wrdreg $0x0  }
0xa5: {  	s2 =	sshll.u32 s25, $0x1;
	[dreg:$0x2] =	wrdreg s0  }
0xa6: {  	[dreg:$0x3] =	wrdreg s2  }
0xa7: {  	[dreg:$0x4] =	wrdreg $0xC0  }
0xa8: {  	_ =	task [dreg:s4], $0x5FFFF  }
0xa9: {  	[dreg:$0x1] =	wrdreg $0xFFFFFFFF  }
0xaa: {  	[dreg:$0x0] =	wrdreg $0x60  }
0xab: {  	[dreg:$0x2] =	wrdreg s22  }
0xac: {  	[dreg:$0x3] =	wrdreg $0x9  }
0xad: {  	_ =	task.clear_ibuf [dreg:s4], $0x4FFFF;
	_ =	strace $0x90000058  }
0xae: {  	s26 =	simm.s32 $0x9;
	_ =	strace $0x8000005A  }
0xaf: {  	_ =	swait.ge [sflag:s26], $0x1  }
0xb0: {  	[sflag:s26] =	ssyncadd.s32 $0xFFFFFFFF  }
0xb1: {  	_ =	strace $0x9000005A  }
0xb2: {  	_ =	sfence  }
0xb3: {  	s28 =	sld [smem:$0x0];
	_ =	sdelay $0x1  }
0xb4: {  	s29 =	srdreg.scid  }
0xb5: {  	s30 =	sshll.u32 s29, $0xD;
	s31 =	sshrl.u32 s29, $0x2  }
0xb6: {  	s1 =	sand.u32 $0x1, s29;
	s2 =	sand.u32 $0x4000, s30;
	s0 =	sadd.s32 s31, s28  }
0xb7: {  	s1 =	sor.u32 s2, s1;
	s0 =	sshll.u32 s0, $0x11  }
0xb8: {  	s0 =	sor.u32 s0, s1  }
0xb9: {  	s0 =	sadd.s32 $0x8F2B, s0  }
0xba: {  	[sflag:s0] =	ssyncadd.remote.s32 $0x1  }
0xbb: {  	_ =	sfence.sel $0xFFFF  }
0xbc: {  	[dreg:$0x0] =	wrdreg $0xFFFFFFFF;
	(pc) =	sbr.abs _section_cstart, $3  }
0xbd: {  	[dreg:$0x1] =	wrdreg $0xFFFFFFFF  }
0xbe: {  	_ =	task.clear_ibuf [dreg:s4], $0x2FFFF;
	_ =	strace $0x9FFFFFFF  }
0xbf: {  	(tm) =	ssettm $0x7FFFFFFF  }
tec
execute0_lowered:
.L_overlay_start_1:
0x0: {  	(tag) =	ssettag $0x1  }
0x1: {  	s1 =	rddreg [dreg:$0x0]  }
0x2: {  	s0 =	rddreg [dreg:$0x1];
	s2 =	stileid.u32  }
0x3: {  	_ =	strace $0x80000059;
	s3 =	simm.s32 $0x3E;
	p0 =	sne.s32 s2, $0x0  }
0x4: {  	[sflag:s3] =	ssyncpa.u1 $0x0;
	s4 =	simm.s32 @!p0 $0x1C3E;
	s5 =	simm.s32 @!p0 $0x0  }
0x5: {  	[spmem:s5], [sflag:s4] =	dma.local @!p0 [hbm:s1], $0x10  }
0x6: {  	s4 =	simm.s32 @!p0 $0x3E  }
0x7: {  	_ =	swait.ge @!p0 [sflag:s4], $0x10  }
0x8: {  	[sflag:s4] =	ssyncset.done @!p0 $0x0  }
0x9: {  	s26 =	simm.s32 $0x1;
	[sflag:s4] =	ssyncadd.s32 @!p0 $0xFFFFFFF0  }
0xa: {  	s28 =	simm.s32 $0x2;
	s7 =	simm.s32 $0x288;
	[bflag:$0x0] =	sbarrier.arrive $0xFFFF  }
0xb: {  	s29 =	smul.u32 $0x50, s2;
	s30 =	sadd.s32 $0xB9000, s1;
	[sflag:s3] =	ssyncpa.u1 $0x1  }
0xc: {  	s31 =	sadd.s32 $0xA6000, s1;
	s2 =	simm.s32 $0x0;
	[sflag:s26] =	ssyncpa.u1 $0x0  }
0xd: {  	s6 =	sadd.s32 s30, s29;
	(ifvalue) =	ssetifvalue $0x80;
	[sflag:s28] =	ssyncpa.u1 $0x0  }
0xe: {  	[tilespmem:s7], [sflag:$0x2] =	stream.linear.gather [hbm4b:s6+s2], $0x280, $0x38;
	[tilespmem:$0xA08] =	vst v63  }
0xf: {  	s5 =	sadd.s32 s31, s29;
	s3 =	simm.s32 $0x788  }
0x10: {  	[tilespmem:s3], [sflag:$0x2] =	stream.linear.gather [hbm4b:s5+s2], $0x280, $0x38;
	[tilespmem:$0xA08] =	vst v63  }
0x11: {  	_ =	swait.ge [sflag:s28], $0x500  }
0x12: {  	[sflag:s28] =	ssyncset.done $0x0  }
0x13: {  	[sflag:s28] =	ssyncadd.s32 $0xFFFFFB00  }
0x14: {  	v0 =	vld.msk [tilespmem:s7+$0x0 ss:$0x1], $0xffff;
	_ =	sdelay $0x4  }
0x15: {  	v0 =	vmin.u32 v0, $0x80;
	_ =	sdelay $0x3  }
0x16: {  	vm0 =	vmmov $0xffff;
	s4 =	simm.s32 $0x0;
	s5 =	simm.s32 $0x298  }
0x17: {  	[spmem:s2] =	stream.indirect_vreg.scatter.add.s32 [tilespmem:s3], [sflag:$0x1], $0x1, v0, vm0, $0x4038;
	[tilespmem:$0xA08] =	vst v63  }
.LBB2_1:
0x18: {  	v0 =	vld.msk [tilespmem:s5+$0x0 ss:$0x1], $0xffff;
	s4 =	sadd.s32 $0x10, s4  }
0x19: {  	p1 =	slt.u32 s4, $0x270;
	_ =	sdelay $0x4  }
0x1a: {  	v0 =	vmin.u32 v0, $0x80  }
.Ltmp0:
0x1b: {  	(pc) =	sbr.rel @p1 .LBB2_1-.Ltmp0, $3  }
0x1c: {  	_ =	sdelay $0x1  }
0x1d: {  	s5 =	sadd.s32 $0x10, s5;
	s3 =	sadd.s32 $0x10, s3  }
0x1e: {  	[spmem:s2] =	stream.indirect_vreg.scatter.add.s32 [tilespmem:s3], [sflag:$0x1], $0x1, v0, vm0, $0x4038;
	[tilespmem:$0xA08] =	vst v63  }
0x1f: {  	s2 =	simm.s32 $0x1  }
0x20: {  	_ =	swait.ge [sflag:s2], $0x280  }
0x21: {  	[sflag:s2] =	ssyncset.done $0x0  }
0x22: {  	[sflag:s2] =	ssyncadd.s32 $0xFFFFFD80  }
0x23: {  	_ =	sfence.sel $0x180000  }
0x24: {  	s3 =	simm.s32 $0x2;
	[bflag:$0x0] =	sbarrier.arrive $0xFFFF  }
0x25: {  	[sflag:s3] =	ssyncpa.u1 $0x1  }
0x26: {  	[sflag:s2] =	ssyncpa.u1 $0x1  }
0x27: {  	_ =	sfence.stream.spmem  }
0x28: {  	s31 =	simm.s32 $0x3D;
	[bflag:$0x0] =	sbarrier.arrive $0xFFFF  }
0x29: {  	s2 =	simm.s32 @p0 $0x3D;
	[sflag:s31] =	ssyncpa.u1 $0x0  }
0x2a: {  	[sflag:s2] =	ssyncpa.u1 @p0 $0x1  }
0x2b: {  	[bflag:$0x0] =	sbarrier.arrive @p0 $0xFFFF  }
0x2c: {  	_ =	strace @p0 $0x90000059  }
0x2d: {  	s3 =	simm.s32 @!p0 $0x1C3D;
	s2 =	simm.s32 @!p0 $0x0;
	[bflag:$0x2] =	sbarrier.arrive @p0 $0xFFFF  }
0x2e: {  	[hbm:s1], [sflag:s3] =	dma.local @!p0 [spmem:s2], $0x10  }
0x2f: {  	s1 =	simm.s32 @!p0 $0x3D  }
0x30: {  	_ =	swait.ge @!p0 [sflag:s1], $0x10  }
0x31: {  	[sflag:s1] =	ssyncset.done @!p0 $0x0  }
0x32: {  	[sflag:s1] =	ssyncadd.s32 @!p0 $0xFFFFFFF0  }
0x33: {  	[sflag:s1] =	ssyncpa.u1 @!p0 $0x1  }
0x34: {  	[bflag:$0x0] =	sbarrier.arrive @!p0 $0xFFFF  }
0x35: {  	_ =	strace @!p0 $0x90000059  }
0x36: {  	s0 =	sadd.s32 @!p0 $0x100000, s0;
	[bflag:$0x2] =	sbarrier.arrive @!p0 $0xFFFF  }
0x37: {  	[sflag:s0] =	ssyncadd.tile.s32 @!p0 $0x1;
	_ =	shalt  }
.Lfunc_end2:
_tile_overlayer_lowered:
.L_overlay_start_2:
0x38: {  	(tag) =	ssettag $0x2  }
0x39: {  	s0 =	rddreg [dreg:$0x0];
	s2 =	stileid.u32  }
0x3a: {  	s1 =	rddreg [dreg:$0x1];
	p0 =	sne.s32 s2, $0x0  }
0x3b: {  	s3 =	rddreg [dreg:$0x2];
	[bflag:$0x3] =	sbarrier.arrive $0xFFFF;
	s2 =	simm.s32 @!p0 $0x1C01  }
0x3c: {  	[timem:s3], [sflag:s2] =	dma.local @!p0 [hbm:s0], s1  }
0x3d: {  	s0 =	simm.s32 @!p0 $0x1  }
0x3e: {  	_ =	swait.ge @!p0 [sflag:s0], s1  }
0x3f: {  	s1 =	ssub.s32 @!p0 $0x0, s1;
	[sflag:s0] =	ssyncset.done @!p0 $0x0  }
0x40: {  	[sflag:s0] =	ssyncadd.s32 @!p0 s1  }
0x41: {  	[bflag:$0x3] =	sbarrier.arrive $0xFFFF  }
0x42: {  	_ =	shalt  }

// kernel: scatter_offload_async_start.3
scs
__scs_entry_jumppad:
0x0: {  	(pc) =	sbr.rel $0x88, $3  }
0x1: {  	(tag) =	ssettag $0x0;
	lr =	simm.s32 $0x1  }
0x2: {  	[smem:$0x3F82] =	sst lr;
	_ =	strace $0xD0000000  }
0x3: {  	_ = 	snop  }
0x4: {  	_ = 	snop  }
0x5: {  	_ = 	snop  }
0x6: {  	_ = 	snop  }
0x7: {  	_ = 	snop  }
__scs_overlays_trampoline_lowered:
0x8: {  	[smem:$0x3F91] =	sst s0  }
0x9: {  	[smem:$0x3F92] =	sst s1  }
0xa: {  	[smem:$0x3F93] =	sst s2  }
0xb: {  	[smem:$0x3F94] =	sst s3  }
0xc: {  	[smem:$0x3F95] =	sst s4  }
0xd: {  	[smem:$0x3F96] =	sst s5  }
0xe: {  	[smem:$0x3F97] =	sst s6  }
0xf: {  	[smem:$0x3F98] =	sst s7  }
0x10: {  	[smem:$0x3F99] =	sst s8  }
0x11: {  	[smem:$0x3F9A] =	sst s9;
	s0 =	simm.s32 @!p0 $0x0  }
0x12: {  	s1 =	sld [smem:$0x3F80];
	s0 =	simm.s32 @p0 $0x1  }
0x13: {  	[smem:$0x3F9B] =	sst s0;
	s0 =	simm.s32 @!p1 $0x0  }
0x14: {  	s2 =	sld [smem:$0x3F7F];
	s0 =	simm.s32 @p1 $0x1  }
0x15: {  	[smem:$0x3F9C] =	sst s0;
	s0 =	simm.s32 @!p2 $0x0  }
0x16: {  	s3 =	sld [smem:$0x3FDB];
	s0 =	simm.s32 @p2 $0x1  }
0x17: {  	s4 =	simm.s32 $0x1BF5;
	[smem:$0x3F9E] =	sst s0  }
0x18: {  	s0 =	sld [smem:$0x3F81];
	_ =	swait.ge [sflag:s4], $0x0  }
0x19: {  	s7 =	sld [smem:$0x3F82]  }
0x1a: {  	s8 =	sadd.s32 $0xFFFFE003, lr  }
0x1b: {  	s9 =	sadd.s32 $0xFFFFFEF7, lr;
	s5 =	simm.s32 $0xFFFFFFFF;
	p2 =	slt.u32 s8, $0xFFFFF086  }
0x1c: {  	p1 =	slt.u32 s9, $0xF7A;
	s5 =	simm.s32 @!p2 $0x0  }
0x1d: {  	s5 =	simm.s32 @p1 $0x1;
	p0 =	seq.s32 s7, s2  }
0x1e: {  	s7 =	smul.u32 @!p0 $0xF7A, s2;
	p2 =	seq.s32 @!p0 s5, $0x0  }
0x1f: {  	s9 =	smul.u32 $0xF7A, s1;
	s8 =	simm.s32 @!p0 $0x1BF5;
	p2 =	por !p2, p0  }
0x20: {  	[sflag:s8] =	ssyncset.s32 @!p0 $0xFFFFF086;
	s6 =	sadd.s32 @!p0 s3, s7;
	s7 =	simm.s32 @!p0 $0x108  }
0x21: {  	s3 =	sadd.s32 s3, s9;
	s6 =	sadd.s32 @!p0 $0x88, s6;
	s7 =	simm.s32 @p2 $0x1082  }
0x22: {  	[simem:s7], [sflag:s8] =	dma.local @!p0 [hbm:s6], $0xF7A  }
0x23: {  	s9 =	sor.u32 $0xD0000000, s2;
	s6 =	simm.s32 $0x108;
	_ =	swait.ge @!p0 [sflag:s8], $0x0  }
0x24: {  	s3 =	sadd.s32 $0x88, s3;
	s6 =	simm.s32 @!p1 $0x1082;
	[sflag:s4] =	ssyncset.s32 $0xFFFFF086  }
0x25: {  	[simem:s6], [sflag:s4] =	dma.local [hbm:s3], $0xF7A  }
0x26: {  	[smem:$0x3F82] =	sst s1;
	(tag) =	ssettag s2;
	_ =	strace s9  }
0x27: {  	s1 =	sld [smem:$0x3F92]  }
0x28: {  	s2 =	sld [smem:$0x3F93]  }
0x29: {  	s4 =	sld [smem:$0x3F95]  }
0x2a: {  	p0 =	seq.s32 s5, $0x0;
	s5 =	sld [smem:$0x3F96]  }
0x2b: {  	s6 =	sld [smem:$0x3F97]  }
0x2c: {  	s7 =	sld [smem:$0x3F98]  }
0x2d: {  	s3 =	simm.s32 $0x108;
	s8 =	sld [smem:$0x3F99]  }
0x2e: {  	s3 =	simm.s32 @!p0 $0x1082;
	s9 =	sld [smem:$0x3F9A]  }
0x2f: {  	lr =	sadd.s32 s0, s3;
	s0 =	sld [smem:$0x3F91]  }
0x30: {  	s3 =	sld [smem:$0x3F94]  }
0x31: {  	[smem:$0x3F9D] =	sst s10  }
0x32: {  	s10 =	sld [smem:$0x3F9B];
	_ =	sdelay $0x3  }
0x33: {  	p0 =	seq.s32 s10, $0x1;
	s10 =	sld [smem:$0x3F9D];
	_ =	sdelay $0x3  }
0x34: {  	[smem:$0x3F9D] =	sst s10  }
0x35: {  	s10 =	sld [smem:$0x3F9C];
	_ =	sdelay $0x3  }
0x36: {  	p1 =	seq.s32 s10, $0x1;
	s10 =	sld [smem:$0x3F9D];
	_ =	sdelay $0x3  }
0x37: {  	[smem:$0x3F9D] =	sst s10  }
0x38: {  	s10 =	sld [smem:$0x3F9E]  }
0x39: {  	_ = 	snop;
	(pc) =	sbr.ind lr, $3  }
0x3a: {  	_ = 	snop  }
0x3b: {  	_ = 	snop  }
0x3c: {  	p2 =	seq.s32 s10, $0x1;
	s10 =	sld [smem:$0x3F9D]  }
0x3d: {  	_ =	shalt  }
0x3e: {  	_ =	shalt  }
0x3f: {  	_ =	shalt  }
0x40: {  	_ =	shalt  }
0x41: {  	_ =	shalt  }
0x42: {  	_ =	shalt  }
0x43: {  	_ =	shalt  }
0x44: {  	_ =	shalt  }
0x45: {  	_ =	shalt  }
0x46: {  	_ =	shalt  }
0x47: {  	_ =	shalt  }
0x48: {  	_ =	shalt  }
0x49: {  	_ =	shalt  }
0x4a: {  	_ =	shalt  }
0x4b: {  	_ =	shalt  }
0x4c: {  	_ =	shalt  }
0x4d: {  	_ =	shalt  }
0x4e: {  	_ =	shalt  }
0x4f: {  	_ =	shalt  }
0x50: {  	_ =	shalt  }
0x51: {  	_ =	shalt  }
0x52: {  	_ =	shalt  }
0x53: {  	_ =	shalt  }
0x54: {  	_ =	shalt  }
0x55: {  	_ =	shalt  }
0x56: {  	_ =	shalt  }
0x57: {  	_ =	shalt  }
0x58: {  	_ =	shalt  }
0x59: {  	_ =	shalt  }
0x5a: {  	_ =	shalt  }
0x5b: {  	_ =	shalt  }
0x5c: {  	_ =	shalt  }
0x5d: {  	_ =	shalt  }
0x5e: {  	_ =	shalt  }
0x5f: {  	_ =	shalt  }
0x60: {  	_ =	shalt  }
0x61: {  	_ =	shalt  }
0x62: {  	_ =	shalt  }
0x63: {  	_ =	shalt  }
0x64: {  	_ =	shalt  }
0x65: {  	_ =	shalt  }
0x66: {  	_ =	shalt  }
0x67: {  	_ =	shalt  }
0x68: {  	_ =	shalt  }
0x69: {  	_ =	shalt  }
0x6a: {  	_ =	shalt  }
0x6b: {  	_ =	shalt  }
0x6c: {  	_ =	shalt  }
0x6d: {  	_ =	shalt  }
0x6e: {  	_ =	shalt  }
0x6f: {  	_ =	shalt  }
0x70: {  	_ =	shalt  }
0x71: {  	_ =	shalt  }
0x72: {  	_ =	shalt  }
0x73: {  	_ =	shalt  }
0x74: {  	_ =	shalt  }
0x75: {  	_ =	shalt  }
0x76: {  	_ =	shalt  }
0x77: {  	_ =	shalt  }
0x78: {  	_ =	shalt  }
0x79: {  	_ =	shalt  }
0x7a: {  	_ =	shalt  }
0x7b: {  	_ =	shalt  }
0x7c: {  	_ =	shalt  }
0x7d: {  	_ =	shalt  }
0x7e: {  	_ =	shalt  }
0x7f: {  	_ =	shalt  }
0x80: {  	_ =	shalt  }
0x81: {  	_ =	shalt  }
0x82: {  	_ =	shalt  }
0x83: {  	_ =	shalt  }
0x84: {  	_ =	shalt  }
0x85: {  	_ =	shalt  }
0x86: {  	_ =	shalt  }
0x87: {  	_ =	shalt  }
.Lfunc_end0:
.L_simem_size_0:
called_computation.3_lowered:
.L_overlay_start_0:
0x88: {  	s0 =	sld [smem:$0x3FD9]  }
0x89: {  	s1 =	sld [smem:$0x3FFE];
	_ =	sdelay $0x3  }
0x8a: {  	s0 =	sadd.s32 s1, s0  }
0x8b: {  	[smem:$0x3FA9] =	sst s0  }
0x8c: {  	_ = 	snop  }
0x8d: {  	(tm) =	ssettm $0x1  }
0x8e: {  	s15 =	sld [smem:$0x3FFB];
	_ =	sdelay $0x3  }
0x8f: {  	_ =	strace s15  }
0x90: {  	s0 =	sld [smem:$0x3FFC];
	_ =	sdelay $0x3  }
0x91: {  	_ =	strace s0  }
0x92: {  	s0 =	sld [smem:$0x3FFD];
	_ =	sdelay $0x3  }
0x93: {  	_ =	strace s0  }
0x94: {  	_ =	strace $0x8FFFFFFF  }
0x95: {  	s16 =	sld [smem:$0x3FDB];
	_ =	sdelay $0x1  }
0x96: {  	s17 =	simm.s32 $_scs_section_size  }
0x97: {  	s2 =	simm.s32 $_size__tile_overlayer_lowered;
	s3 =	simm.s32 $_tile_overlayer_lowered  }
0x98: {  	s20 =	simm.s32 $0x1BFF;
	s19 =	sshll.u32 s3, $0x1;
	s0 =	sadd.s32 s17, s16  }
0x99: {  	s4 =	simm.s32 $0x0;
	s18 =	sshll.u32 s2, $0x1;
	s2 =	sadd.s32 s19, s0  }
0x9a: {  	[timem:s4], [sflag:s20] =	dma.local [hbm:s2], s18  }
0x9b: {  	_ =	swait.ge [sflag:s20], s18  }
0x9c: {  	s1 =	ssub.s32 $0x0, s18;
	[sflag:s20] =	ssyncset.done $0x0  }
0x9d: {  	[sflag:s20] =	ssyncadd.s32 s1;
	_ =	sdelay $0x1  }
0x9e: {  	s21 =	simm.s32 $0x1B8B  }
0x9f: {  	_ =	swait.ge [sflag:s21], $0x1  }
0xa0: {  	[sflag:s21] =	ssyncset.done $0x0  }
0xa1: {  	s23 =	simm.s32 $0x1B8E;
	s22 =	sld [smem:$0x3FFE];
	[sflag:s21] =	ssyncadd.s32 $0xFFFFFFFF  }
0xa2: {  	s24 =	simm.s32 $execute0_lowered;
	[smem:$0x3FD2] =	sst s23  }
0xa3: {  	s2 =	sshll.u32 s24, $0x1;
	_ =	strace $0x80000046;
	[dreg:$0x1] =	wrdreg $0xFFFFFFFF  }
0xa4: {  	s25 =	simm.s32 $_size_execute0_lowered;
	s0 =	sadd.s32 s0, s2;
	[dreg:$0x0] =	wrdreg $0x0  }
0xa5: {  	s2 =	sshll.u32 s25, $0x1;
	[dreg:$0x2] =	wrdreg s0  }
0xa6: {  	[dreg:$0x3] =	wrdreg s2  }
0xa7: {  	[dreg:$0x4] =	wrdreg $0xC0  }
0xa8: {  	_ =	task [dreg:s4], $0x5FFFF  }
0xa9: {  	[dreg:$0x1] =	wrdreg $0xFFFFFFFF  }
0xaa: {  	[dreg:$0x0] =	wrdreg $0x60  }
0xab: {  	[dreg:$0x2] =	wrdreg s22  }
0xac: {  	[dreg:$0x3] =	wrdreg $0x9  }
0xad: {  	_ =	task.clear_ibuf [dreg:s4], $0x4FFFF;
	_ =	strace $0x90000046  }
0xae: {  	s26 =	simm.s32 $0x9;
	_ =	strace $0x80000048  }
0xaf: {  	_ =	swait.ge [sflag:s26], $0x1  }
0xb0: {  	[sflag:s26] =	ssyncadd.s32 $0xFFFFFFFF  }
0xb1: {  	_ =	strace $0x90000048  }
0xb2: {  	_ =	sfence  }
0xb3: {  	s28 =	sld [smem:$0x0];
	_ =	sdelay $0x1  }
0xb4: {  	s29 =	srdreg.scid  }
0xb5: {  	s30 =	sshll.u32 s29, $0xD;
	s31 =	sshrl.u32 s29, $0x2  }
0xb6: {  	s1 =	sand.u32 $0x1, s29;
	s2 =	sand.u32 $0x4000, s30;
	s0 =	sadd.s32 s31, s28  }
0xb7: {  	s1 =	sor.u32 s2, s1;
	s0 =	sshll.u32 s0, $0x11  }
0xb8: {  	s0 =	sor.u32 s0, s1  }
0xb9: {  	s0 =	sadd.s32 $0x8F2B, s0  }
0xba: {  	[sflag:s0] =	ssyncadd.remote.s32 $0x1  }
0xbb: {  	_ =	sfence.sel $0xFFFF  }
0xbc: {  	[dreg:$0x0] =	wrdreg $0xFFFFFFFF;
	(pc) =	sbr.abs _section_cstart, $3  }
0xbd: {  	[dreg:$0x1] =	wrdreg $0xFFFFFFFF  }
0xbe: {  	_ =	task.clear_ibuf [dreg:s4], $0x2FFFF;
	_ =	strace $0x9FFFFFFF  }
0xbf: {  	(tm) =	ssettm $0x7FFFFFFF  }
tec
execute0_lowered:
.L_overlay_start_1:
0x0: {  	(tag) =	ssettag $0x1  }
0x1: {  	s0 =	rddreg [dreg:$0x0];
	_ =	strace $0x80000047;
	s15 =	stileid.u32  }
0x2: {  	s2 =	simm.s32 $0x1;
	s1 =	smin.u32 s15, $0x8;
	s3 =	sshll.u32 s15, $0x1  }
0x3: {  	v1 =	vimm.s32 $0xFFFFFFFF;
	[sflag:s2] =	ssyncpa.u1 $0x0;
	s1 =	sadd.s32 s1, s3  }
0x4: {  	p0 =	slt.u32 s15, $0x8;
	[tilespmem:$0x10] =	vst v1;
	s4 =	smul.u32 $0x1F40, s1;
	s1 =	simm.s32 $0x5DC0  }
0x5: {  	v0 =	vimm.f32 $0.0e+00;
	[tilespmem:$0x20] =	vst v1;
	s1 =	simm.s32 @!p0 $0x3E80  }
0x6: {  	[tilespmem:$0x30] =	vst v0;
	s1 =	sadd.s32 s1, s4  }
0x7: {  	[tilespmem:$0x40] =	vst v0;
	s5 =	smin.u32 s1, $0x4E200  }
0x8: {  	s7 =	simm.s32 $0x2;
	s8 =	simm.s32 $0x8;
	[tilespmem:$0x50] =	vst v0;
	s9 =	ssub.s32 s5, s4  }
0x9: {  	s31 =	simm.s32 $0x9;
	s16 =	simm.s32 $0x0;
	[tilespmem:$0x60] =	vst v1;
	p0 =	sgt.s32 s9, $0x0  }
0xa: {  	s17 =	simm.s32 $0xF0;
	s18 =	simm.s32 $0xFFFFFFFF;
	[tilespmem:$0x70] =	vst v1;
	s9 =	simm.s32 @!p0 $0x0  }
0xb: {  	s19 =	simm.s32 $0xFFFFC280;
	s20 =	simm.s32 $0xFFFFFFFE;
	[tilespmem:$0x80] =	vst v1;
	s30 =	smulhi.u32 $0x10624DD3, s9  }
0xc: {  	s21 =	simm.s32 $0xF;
	s25 =	simm.s32 $0x0;
	s24 =	simm.s32 $0x0;
	v1 =	vimm.s32 $0x0;
	[tilespmem:$0xB0] =	vst v0  }
0xd: {  	s6 =	sadd.s32 $0xA5400, s0;
	s15 =	sshllo.u32 s15, $0x1;
	[tilespmem:$0x90] =	vst v1;
	s10 =	sshrl.u32 s30, $0x9  }
0xe: {  	[tilespmem:$0xA0] =	vst v1;
	[sflag:s7] =	ssyncpa.u1 $0x0;
	s7 =	simm.s32 $0x7;
	s11 =	smul.u32 $0x1F40, s10  }
.Ltmp0:
0xf: {  	s13 =	sor.u32 $0x80, s3;
	[sflag:s7] =	ssyncpa.u1 $0x0;
	(pc) =	sbr.rel .LBB2_1-.Ltmp0, $4  }
0x10: {  	s14 =	sor.u32 $0x81, s3;
	[sflag:s8] =	ssyncpa.u1 $0x0;
	p0 =	sne.s32 s9, s11  }
0x11: {  	s23 =	smov.u32 s4;
	s1 =	sadd.s32 $0x109600, s0;
	s2 =	simm.s32 @!p0 $0x0  }
0x12: {  	vm0 =	vmmov $0xffff;
	v2 =	vlaneseq.u32;
	[sflag:s31] =	ssyncpa.u1 $0x0;
	s9 =	sadd.s32 $0xAF200, s0;
	s10 =	sadd.s32 s2, s10  }
0x13: {  	vm1 =	vmxor vm1, vm1;
	vm2 =	vmmov $0x1;
	vm3 =	vcmask $0x3F3C;
	p0 =	por $0x0, $0x0;
	s11 =	sadd.s32 $0x1, s10;
	s12 =	sadd.s32 $0x2, s10  }
.LBB2_9:
0x14: {  	p1 =	slt.u32 s24, $0x3  }
0x15: {  	s0 =	simm.s32 @!p1 $0x2  }
0x16: {  	_ =	swait.ge @!p1 [sflag:s0], $0x1F40  }
0x17: {  	[sflag:s0] =	ssyncset.done @!p1 $0x0  }
0x18: {  	[sflag:s0] =	ssyncadd.s32 @!p1 $0xFFFFE0C0;
	s0 =	simm.s32 @!p1 $0x9  }
0x19: {  	_ =	swait.ge @!p1 [sflag:s0], $0x10  }
0x1a: {  	[sflag:s0] =	ssyncset.done @!p1 $0x0  }
0x1b: {  	[sflag:s0] =	ssyncadd.s32 @!p1 $0xFFFFFFF0;
	p1 =	sne.s32 s24, s12  }
.Ltmp1:
0x1c: {  	s2 =	sadd.s32 $0x1F40, s23;
	(pc) =	sbr.rel @!p1 .LBB2_10-.Ltmp1, $4  }
0x1d: {  	s22 =	smov.u32 s4;
	s31 =	sadd.s32 $0x1, s24;
	s17 =	sadd.s32 $0x1F40, s17  }
0x1e: {  	s18 =	sadd.s32 $0x1, s18;
	s25 =	smov.u32 s23;
	p2 =	slt.s32 s2, s5  }
0x1f: {  	p0 =	por !p0, !p0;
	s19 =	sadd.s32 $0x1F40, s19;
	s22 =	smov.u32 @p2 s2  }
0x20: {  	s20 =	sadd.s32 $0x1, s20;
	s23 =	smov.u32 s22;
	s24 =	smov.u32 s31  }
.LBB2_1:
0x21: {  	p1 =	sge.u32 s24, s10  }
0x22: {  	s0 =	smulhi.u32 @!p1 $0xAAAAAAAB, s24;
	_ =	sdelay $0x1  }
0x23: {  	s0 =	sshrl.u32 @!p1 s0, $0x1  }
0x24: {  	s0 =	smul.u32 @!p1 $0x3, s0;
	_ =	sdelay $0x1  }
0x25: {  	s0 =	ssub.s32 @!p1 s24, s0  }
0x26: {  	s0 =	smul.u32 @!p1 $0x7D00, s0;
	_ =	sdelay $0x1  }
0x27: {  	s2 =	sshrl.u32 @!p1 s23, $0x3;
	s0 =	sshrl.u32 @!p1 s0, $0x2  }
0x28: {  	s22 =	sand.u32 @!p1 $0x7, s23;
	s2 =	sadd.s32 @!p1 s6, s2;
	s0 =	sadd.s32 @!p1 $0x100, s0  }
0x29: {  	[tilespmem:s0], [sflag:$0x7] =	stream.linear.gather @!p1 [hbm4b:s2+s22], $0x1F40, $0x38;
	[tilespmem:$0x11A60] =	vst v63  }
0x2a: {  	s0 =	sadd.s32 $0xFFFFFFFF, s24  }
0x2b: {  	p1 =	sge.u32 s0, s10  }
.Ltmp2:
0x2c: {  	_ = 	snop;
	(pc) =	sbr.rel @p1 .LBB2_5-.Ltmp2, $1  }
0x2d: {  	_ =	sdelay $0x3  }
0x2e: {  	s2 =	smulhi.u32 $0xAAAAAAAB, s0;
	_ =	sdelay $0x1  }
0x2f: {  	s2 =	sshrl.u32 s2, $0x1  }
0x30: {  	s2 =	smul.u32 $0x3, s2;
	_ =	sdelay $0x1  }
0x31: {  	s2 =	ssub.s32 s0, s2  }
0x32: {  	s2 =	smul.u32 $0x7D00, s2  }
0x33: {  	_ =	swait.ge [sflag:s7], $0x1F40  }
0x34: {  	[sflag:s7] =	ssyncset.done $0x0;
	s2 =	sshrl.u32 s2, $0x2  }
0x35: {  	[sflag:s7] =	ssyncadd.s32 $0xFFFFE0C0;
	(ifvalue) =	ssetifvalue $0xFFFFFFFF;
	v3 =	vld.msk [tilespmem:s2+$0x100 ss:$0x1], $0xffff;
	_ =	sdelay $0x2  }
0x36: {  	s30 =	smulhi.u32 $0xAAAAAAAB, s18;
	p1 =	sne.s32 s24, $0x1  }
0x37: {  	v4 =	vimm.s32 @!p1 $0x0  }
0x38: {  	s2 =	sshrl.u32 s30, $0x1;
	v4 =	vperm.xlane @!p1 v3, v4  }
0x39: {  	s22 =	sshll.u32 s24, $0x4;
	s2 =	smul.u32 $0xFFFE8900, s2;
	vm4 =	vlt.u32 v3, $0x6400000  }
0x3a: {  	s22 =	sand.u32 $0x10, s22;
	v3 =	vnsel vm4, $0xFFFFFFFE, v3;
	vm4 =	vlt.u32 @!p1 v4, $0x6400000  }
0x3b: {  	s2 =	sshra.s32 s2, $0x2;
	[tilespmem:s22+$0x60] =	vst v3;
	v3 =	vnsel @!p1 vm4, $0xFFFFFFFE, v4  }
0x3c: {  	s28 =	sadd.s32 s2, s17;
	[tilespmem:$0x80] =	vst @!p1 v3  }
0x3d: {  	v3 =	vld.msk [tilespmem:s28+$0x0 ss:$0x1], $0xffff;
	_ =	sdelay $0x4  }
0x3e: {  	(xrf1) =	vunique.msk.u32 $0xffff, v3;
	_ =	sdelay $0xd  }
0x3f: {  	v4 =	vimm.s32 $0xFFFFFFFF;
	v5, _, _ =	vpop (xrf1)  }
0x40: {  	vm5 =	vne.s32 v3, v4;
	vm4 =	veq.s32 v5, v2  }
0x41: {  	vm6 =	vlt.u32 v3, $0x6400000;
	vm4 =	vmand vm5, vm4  }
0x42: {  	vm4 =	vmand vm6, vm4  }
0x43: {  	v4 =	vnsel vm4, $0xFFFFFFFF, v3  }
0x44: {  	s31 =	sand.u32 $0x1, s0  }
0x45: {  	s0 =	simm.s32 $0x1F40;
	p1 =	seq.s32 s31, $0x1  }
0x46: {  	s0 =	simm.s32 @!p1 $0x0  }
0x47: {  	s26 =	sadd.s32 $0x7DF0, s0;
	(ifvalue) =	ssetifvalue $0xFFFFFFFF  }
0x48: {  	v3 =	vperm.xlane v3, v1;
	[tilespmem:s26], [sflag:$0x8] =	stream.indirect_vreg.gather [hbm4b:s1+s16], $0x1, v4, vm0, $0x4038;
	v4 =	vnsel vm6, $0xFFFFFFFE, v4;
	[tilespmem:$0x11A60] =	vst v63  }
0x49: {  	s2 =	simm.s32 $0x0;
	s22 =	sadd.s32 $0xFFFFFFF0, s28;
	[tilespmem:s28+$0x0] =	vst v4  }
.LBB2_3:
0x4a: {  	v4 =	vld.msk [tilespmem:s22+$0x0 ss:$0x1], $0xffff;
	s2 =	sadd.s32 $0x10, s2;
	v5 =	vmov v3;
	s28 =	smov.u32 s22  }
0x4b: {  	p1 =	slt.u32 s2, $0x1F30;
	_ =	sdelay $0x4  }
0x4c: {  	v3 =	vperm.xlane v4, v1;
	(xrf1) =	vunique.msk.u32 $0xffff, v4;
	_ =	sdelay $0xd  }
0x4d: {  	v6, _, _ =	vpop (xrf1)  }
0x4e: {  	vm5 =	vne.s32 v4, v5;
	vm4 =	veq.s32 v6, v2  }
0x4f: {  	vm6 =	vlt.u32 v4, $0x6400000;
	vm4 =	vmand vm5, vm4  }
0x50: {  	vm4 =	vmand vm6, vm4  }
0x51: {  	v4 =	vnsel vm4, $0xFFFFFFFF, v4  }
.Ltmp3:
0x52: {  	v5 =	vnsel vm6, $0xFFFFFFFE, v4;
	(pc) =	sbr.rel @p1 .LBB2_3-.Ltmp3, $3  }
0x53: {  	_ =	sdelay $0x1  }
0x54: {  	s22 =	sadd.s32 $0xFFFFFFF0, s22;
	s26 =	sadd.s32 $0xFFFFFFF0, s26;
	(ifvalue) =	ssetifvalue $0xFFFFFFFF  }
0x55: {  	[tilespmem:s26], [sflag:$0x8] =	stream.indirect_vreg.gather [hbm4b:s1+s16], $0x1, v4, vm0, $0x4038;
	[tilespmem:s28+$0x0] =	vst v5  }
0x56: {  	s2 =	sshrl.u32 s25, $0x3  }
0x57: {  	s0 =	sadd.s32 $0x9D40, s0;
	s2 =	sadd.s32 s9, s2  }
0x58: {  	[tilespmem:s0], [sflag:$0x8] =	stream.linear.gather [hbm:s2], $0x1F40, $0x38;
	[tilespmem:$0x11A60] =	vst v63  }
.LBB2_5:
0x59: {  	p1 =	slt.u32 s24, $0x2  }
0x5a: {  	p2 =	sge.u32 @!p1 s24, s12  }
0x5b: {  	p1 =	por p1, p2  }
.Ltmp4:
0x5c: {  	_ = 	snop;
	(pc) =	sbr.rel @p1 .LBB2_9-.Ltmp4, $1  }
0x5d: {  	_ =	sdelay $0x3  }
0x5e: {  	s0 =	sadd.s32 $0xFFFFFFFE, s24  }
0x5f: {  	s2 =	smulhi.u32 $0xAAAAAAAB, s0;
	_ =	sdelay $0x1  }
0x60: {  	s2 =	sshrl.u32 s2, $0x1  }
0x61: {  	s2 =	smul.u32 $0x3, s2;
	_ =	sdelay $0x1  }
0x62: {  	s0 =	ssub.s32 s0, s2  }
0x63: {  	_ =	swait.ge [sflag:s8], $0x3E80;
	s0 =	smul.u32 $0x1F40, s0  }
0x64: {  	p1 =	sne.s32 s24, s11;
	[sflag:s8] =	ssyncset.done $0x0  }
0x65: {  	[sflag:s8] =	ssyncadd.s32 $0xFFFFC180;
	s2 =	sadd.s32 @!p1 $0x203F, s0  }
0x66: {  	[spmem:s14] =	stream.linear.scatter @!p1 [tilespmem:s2], [sflag:$0x1], $0x1, $0x38;
	[tilespmem:$0x11A60] =	vst v63  }
0x67: {  	s2 =	simm.s32 @!p1 $0x1  }
0x68: {  	_ =	swait.ge @!p1 [sflag:s2], $0x1  }
0x69: {  	s22 =	sshll.u32 s24, $0x4;
	[sflag:s2] =	ssyncset.done @!p1 $0x0  }
0x6a: {  	s25 =	sand.u32 $0x10, s22;
	[sflag:s2] =	ssyncadd.s32 @!p1 $0xFFFFFFFF  }
0x6b: {  	s2 =	sxor.u32 $0x10, s25;
	v4 =	vld [tilespmem:s25+$0x10]  }
0x6c: {  	v5 =	vld [tilespmem:s2+$0x60]  }
0x6d: {  	v3 =	vld [tilespmem:$0x80];
	_ =	sdelay $0x2  }
0x6e: {  	(v2sf) =	vpush v4, $0x0  }
0x6f: {  	(v2sf) =	vpush v5, $0x0  }
0x70: {  	(v2sf) =	vpush v3, $0x0;
	_ =	sdelay $0xc  }
0x71: {  	s22 =	spop (v2sf)  }
0x72: {  	s26 =	spop (v2sf)  }
0x73: {  	s28 =	spop (v2sf)  }
0x74: {  	p2 =	seq.s32 s22, s26;
	p3 =	seq.s32 s28, s22  }
0x75: {  	p3 =	por p2, p3  }
0x76: {  	s26 =	sand.u32 $0x1, s24;
	v4 =	vpsel p3, $0xFFFFFFFF, v4  }
0x77: {  	s29 =	smul.u32 $0x1F40, s26;
	[tilespmem:s25+$0x10] =	vst.msk $0x1, v4  }
0x78: {  	v4 =	vld [tilespmem:$0x30]  }
0x79: {  	v5 =	vld [tilespmem:s29+$0x9D40]  }
0x7a: {  	v6 =	vld [tilespmem:s25+$0x40];
	_ =	sdelay $0x3  }
0x7b: {  	vm4 =	vmmov vm1;
	v5 =	vadd.f32 v5, v4  }
0x7c: {  	vm5 =	vmmov vm2;
	vm4 =	vmmov @p2 vm2;
	s22 =	sshll.u32 s26, $0x4;
	v4 =	vadd.f32 v6, v4  }
0x7d: {  	s26 =	sor.u32 $0x11A40, s22;
	vm5 =	vmmov @p3 vm1;
	[tilespmem:s29+$0x9D40] =	vst.msk vm4, v5  }
0x7e: {  	[tilespmem:s26+$0x0] =	vst.msk vm5, v4  }
0x7f: {  	v4 =	vld [tilespmem:s29+$0x7DF0];
	_ =	sdelay $0x3  }
0x80: {  	v5 =	vimm.f32 $0.0e+00  }
0x81: {  	v4 =	vshift.insert v4, v5, s21  }
0x82: {  	s22 =	sor.u32 $0x40, s2  }
0x83: {  	[tilespmem:s22+$0x0] =	vst.msk $0x1, v4  }
0x84: {  	[tilespmem:s29+$0x7DFF] =	vst.msk $0x1, v5  }
0x85: {  	v4 =	vld [tilespmem:s0+$0x2030];
	_ =	sdelay $0x1  }
0x86: {  	s22 =	smulhi.u32 $0xAAAAAAAB, s20;
	s0 =	simm.s32 $0x1  }
0x87: {  	s0 =	simm.s32 @!p0 $0x0  }
0x88: {  	s22 =	sshrl.u32 s22, $0x1;
	s0 =	smul.u32 $0x7D00, s0  }
0x89: {  	s22 =	smul.u32 $0xFFFE8900, s22;
	v4 =	vshift.insert v4, v1, s21  }
0x8a: {  	s0 =	sshrl.u32 s0, $0x2  }
0x8b: {  	s22 =	sshra.s32 s22, $0x2;
	s30 =	sadd.s32 $0x9D40, s0;
	[tilespmem:s2+$0x10] =	vst.msk $0x1, v4  }
0x8c: {  	s22 =	sadd.s32 s22, s19;
	v6 =	vld [tilespmem:s30+$0x0]  }
0x8d: {  	v7 =	vld [tilespmem:s22+$0x0];
	_ =	sdelay $0x3  }
0x8e: {  	v5 =	vadd.f32 v6, v5  }
0x8f: {  	vm4 =	vne.s32 v7, $0xFFFFFFFF  }
0x90: {  	(xrf2) =	vadd.seg.scan.f32 vm4, v5;
	_ =	sdelay $0x3  }
0x91: {  	s31 =	sadd.s32 $0x5EC0, s0;
	v5 =	vperm.xlane v4, v1  }
0x92: {  	v6 =	vld [tilespmem:s31+$0x0]  }
0x93: {  	vm5 =	veq.s32 v7, v3;
	vm6 =	veq.s32 v7, v5  }
0x94: {  	vm7 =	vgt.u32 v7, $0xFFFFFFFD;
	vm6 =	vmor vm6, vm5  }
0x95: {  	vm6 =	vmor vm6, vm7  }
0x96: {  	v9 =	vld [tilespmem:$0xA0];
	v7 =	vsel vm6, $0xFFFFFFFF, v7  }
0x97: {  	v10 =	vld [tilespmem:$0x90];
	v6 =	vsel vm5, $0x0, v6;
	v8, _, _ =	vpop (xrf2)  }
0x98: {  	v6 =	vadd.f32 v8, v6  }
0x99: {  	s0 =	sadd.s32 $0xDBC0, s0  }
0x9a: {  	vm4 =	vmand vm4, vm3;
	[tilespmem:s0+$0x0] =	vst v6;
	(ifvalue) =	ssetifvalue $0xFFFFFFFF  }
0x9b: {  	vm6 =	veq.s32 v9, $0x1;
	[hbm4b:s1+s16] =	stream.indirect_vreg.scatter [tilespmem:s0], [sflag:$0x2], $0x1, v7, vm0, $0x4038;
	v7 =	vsel vm4, $0x0, v8;
	[tilespmem:$0x11A60] =	vst v63  }
0x9c: {  	s2 =	simm.s32 $0x0;
	s22 =	sadd.s32 $0x10, s22;
	vm4 =	vmor vm6, vm5;
	v6 =	vsel vm5, v8, v10;
	v7 =	vshift.insert v7, v0, s21  }
.LBB2_7:
0x9d: {  	v8 =	vld [tilespmem:s22+$0x0];
	s30 =	sadd.s32 $0x10, s30  }
0x9e: {  	s31 =	sadd.s32 $0x10, s31;
	v9 =	vld [tilespmem:s30+$0x0]  }
0x9f: {  	s2 =	sadd.s32 $0x10, s2;
	v10 =	vld [tilespmem:s31+$0x0]  }
0xa0: {  	p2 =	slt.u32 s2, $0x1F30;
	_ =	sdelay $0x2  }
0xa1: {  	v7 =	vadd.f32 v9, v7  }
0xa2: {  	vm5 =	vne.s32 v8, $0xFFFFFFFF  }
0xa3: {  	vm6 =	vmand vm5, vm3;
	(xrf2) =	vadd.seg.scan.f32 vm5, v7;
	_ =	sdelay $0x5  }
0xa4: {  	vm7 =	veq.s32 v8, v5;
	vm5 =	veq.s32 v8, v3  }
0xa5: {  	vm8 =	vgt.u32 v8, $0xFFFFFFFD;
	vm4 =	vmor vm4, vm5;
	vm7 =	vmor vm7, vm5  }
0xa6: {  	vm7 =	vmor vm7, vm8  }
0xa7: {  	v8 =	vsel vm7, $0xFFFFFFFF, v8  }
.Ltmp5:
0xa8: {  	v7 =	vsel vm5, $0x0, v10;
	v9, _, _ =	vpop (xrf2);
	(pc) =	sbr.rel @p2 .LBB2_7-.Ltmp5, $4  }
0xa9: {  	v6 =	vsel vm5, v9, v6;
	v10 =	vadd.f32 v9, v7;
	v7 =	vsel vm6, $0x0, v9  }
0xaa: {  	s0 =	sadd.s32 $0x10, s0;
	v7 =	vshift.insert v7, v0, s21  }
0xab: {  	s22 =	sadd.s32 $0x10, s22;
	[tilespmem:s0+$0x0] =	vst v10;
	(ifvalue) =	ssetifvalue $0xFFFFFFFF  }
0xac: {  	[hbm4b:s1+s16] =	stream.indirect_vreg.scatter [tilespmem:s0], [sflag:$0x2], $0x1, v8, vm0, $0x4038;
	[tilespmem:$0x11A60] =	vst v63  }
0xad: {  	v3 =	vld [tilespmem:s29+$0xFAF0];
	_ =	sdelay $0x4  }
0xae: {  	v3 =	vshift.insert v3, v0, s21  }
0xaf: {  	s0 =	simm.s32 $0x30  }
0xb0: {  	[tilespmem:s0+$0x0] =	vst.msk $0x1, v3  }
0xb1: {  	v3 =	vsel vm4, $0x1, v1;
	[tilespmem:$0x90] =	vst v6  }
0xb2: {  	s0 =	sadd.s32 @!p1 $0xFAFF, s29;
	[tilespmem:$0xA0] =	vst v3  }
0xb3: {  	[spmem:s15] =	stream.linear.scatter @!p1 [tilespmem:s0], [sflag:$0x1], $0x1, $0x38;
	[tilespmem:$0x11A60] =	vst v63  }
0xb4: {  	s0 =	simm.s32 @!p1 $0x1  }
0xb5: {  	v3 =	vmctz.xlane @!p1 vm4;
	_ =	swait.ge @!p1 [sflag:s0], $0x1  }
0xb6: {  	(v2sf) =	vpush @!p1 v4, $0x0  }
0xb7: {  	(v2sf) =	vpush @!p1 v3, $0x0;
	_ =	sdelay $0xd  }
0xb8: {  	s2 =	spop @!p1 (v2sf)  }
0xb9: {  	s22 =	spop @!p1 (v2sf)  }
0xba: {  	p2 =	sne.s32 @!p1 s28, s2;
	p3 =	slt.s32 @!p1 s22, $0xF  }
0xbb: {  	[sflag:s0] =	ssyncset.done @!p1 $0x0;
	p2 =	por p2, p1;
	p3 =	por !p3, p1  }
0xbc: {  	[sflag:s0] =	ssyncadd.s32 @!p1 $0xFFFFFFFF;
	v3 =	vimm.s32 @!p2 $0xFFFFFFFF;
	s22 =	simm.s32 @p3 $0xF  }
0xbd: {  	[tilespmem:$0x80] =	vst @!p2 v3;
	s2 =	sadd.s32 @!p1 $0x90, s22  }
0xbe: {  	[spmem:s3] =	stream.linear.scatter @!p1 [tilespmem:s2], [sflag:$0x1], $0x1, $0x38;
	[tilespmem:$0x11A60] =	vst v63  }
0xbf: {  	_ =	swait.ge @!p1 [sflag:s0], $0x1  }
0xc0: {  	[sflag:s0] =	ssyncset.done @!p1 $0x0  }
0xc1: {  	s2 =	simm.s32 @!p1 $0x80;
	[sflag:s0] =	ssyncadd.s32 @!p1 $0xFFFFFFFF  }
0xc2: {  	[spmem:s13] =	stream.linear.scatter @!p1 [tilespmem:s2], [sflag:$0x1], $0x1, $0x38;
	[tilespmem:$0x11A60] =	vst v63  }
0xc3: {  	_ =	swait.ge @!p1 [sflag:s0], $0x1  }
0xc4: {  	[sflag:s0] =	ssyncset.done @!p1 $0x0  }
0xc5: {  	[sflag:s0] =	ssyncadd.s32 @!p1 $0xFFFFFFFF;
	(ifvalue) =	ssetifvalue $0xFFFFFFFF;
	v3 =	vld [tilespmem:s25+$0x10];
	_ =	sdelay $0x3  }
.Ltmp6:
0xc6: {  	_ = 	snop;
	(pc) =	sbr.rel .LBB2_9-.Ltmp6, $3  }
0xc7: {  	_ =	sdelay $0x1  }
0xc8: {  	(ifvalue) =	ssetifvalue $0xFFFFFFFF  }
0xc9: {  	[hbm4b:s1+s16] =	stream.indirect_vreg.scatter [tilespmem:s26], [sflag:$0x9], $0x1, v3, vm0, $0x4038;
	[tilespmem:$0x11A60] =	vst v63  }
.LBB2_10:
0xca: {  	_ =	sfence.sel $0x180000  }
0xcb: {  	s0 =	simm.s32 $0x7;
	[bflag:$0x0] =	sbarrier.arrive $0xFFFF  }
0xcc: {  	s26 =	simm.s32 $0x8;
	[sflag:s0] =	ssyncpa.u1 $0x1  }
0xcd: {  	s28 =	simm.s32 $0x9;
	[sflag:s26] =	ssyncpa.u1 $0x1  }
0xce: {  	[sflag:s28] =	ssyncpa.u1 $0x1  }
0xcf: {  	_ =	sfence.stream.spmem  }
0xd0: {  	s29 =	simm.s32 $0x3;
	[bflag:$0x0] =	sbarrier.arrive $0xFFFF  }
0xd1: {  	s30 =	simm.s32 $0x4;
	[sflag:s29] =	ssyncpa.u1 $0x1  }
0xd2: {  	s31 =	simm.s32 $0x3C;
	s2 =	stileid.u32;
	[sflag:s30] =	ssyncpa.u1 $0x1  }
0xd3: {  	p0 =	sne.s32 s2, $0x0;
	[sflag:s31] =	ssyncpa.u1 $0x1  }
0xd4: {  	s0 =	simm.s32 @p0 $0x1;
	_ =	sfence @p0  }
0xd5: {  	[sflag:s0] =	ssyncpa.u1 @p0 $0x1;
	s0 =	simm.s32 @p0 $0x2  }
0xd6: {  	[sflag:s0] =	ssyncpa.u1 @p0 $0x1  }
0xd7: {  	_ =	strace @p0 $0x90000047  }
0xd8: {  	[bflag:$0x2] =	sbarrier.arrive @p0 $0xFFFF  }
0xd9: {  	_ =	shalt @p0  }
.LBB2_11:
0xda: {  	_ =	sfence.stream.spmem;
	s0 =	simm.s32 $0x5  }
0xdb: {  	s2 =	simm.s32 $0x80;
	s3 =	simm.s32 $0xC0;
	[sflag:s0] =	ssyncpa.u1 $0x0  }
0xdc: {  	[tilespmem:s3], [sflag:$0x5] =	stream.linear.gather [spmem:s2], $0x20, $0x38;
	[tilespmem:$0x11A60] =	vst v63  }
0xdd: {  	s2 =	simm.s32 $0x0;
	s3 =	simm.s32 $0xE0  }
0xde: {  	[tilespmem:s3], [sflag:$0x5] =	stream.linear.gather [spmem:s2], $0x20, $0x38;
	[tilespmem:$0x11A60] =	vst v63  }
.Ltmp7:
0xdf: {  	_ = 	snop;
	(pc) =	sbr.rel .LBB2_12-.Ltmp7, $4  }
0xe0: {  	_ =	swait.ge [sflag:s0], $0x40  }
0xe1: {  	[sflag:s0] =	ssyncset.done $0x0  }
0xe2: {  	s31 =	simm.s32 $0x6;
	[sflag:s0] =	ssyncadd.s32 $0xFFFFFFC0  }
0xe3: {  	s4 =	simm.s32 $0x0;
	[sflag:s31] =	ssyncpa.u1 $0x0  }
.LBB2_17:
0xe4: {  	p0 =	sgt.u32 s5, $0x63FFFFF  }
0xe5: {  	s0 =	sshrl.u32 @!p0 s5, $0x3  }
0xe6: {  	s5 =	sand.u32 @!p0 $0x7, s5;
	s6 =	simm.s32 @!p0 $0xB0;
	s0 =	sadd.s32 @!p0 s1, s0  }
0xe7: {  	[tilespmem:s6], [sflag:$0x6] =	stream.linear.gather @!p0 [hbm4b:s0+s5], $0x1, $0x38;
	[tilespmem:$0x11A60] =	vst v63  }
0xe8: {  	s0 =	simm.s32 @!p0 $0x6  }
0xe9: {  	_ =	swait.ge @!p0 [sflag:s0], $0x1  }
0xea: {  	[sflag:s0] =	ssyncset.done @!p0 $0x0  }
0xeb: {  	[sflag:s0] =	ssyncadd.s32 @!p0 $0xFFFFFFFF  }
0xec: {  	v2 =	vmov @!p0 s4;
	v1 =	vld.msk @!p0 [tilespmem:$0xB0], $0x1;
	_ =	sdelay $0x3  }
0xed: {  	s0 =	simm.s32 @!p0 $0xE0  }
0xee: {  	[tilespmem:v2+s0+$0x0], v1 =	vst.idx.ret.add.f32.msk @!p0 $0x1, v1  }
0xef: {  	[tilespmem:s2+$0xC0] =	vst.msk $0x1, v0  }
0xf0: {  	v0 =	vld.msk [tilespmem:s4+$0xE0], $0x1;
	_ =	sdelay $0x4  }
0xf1: {  	[tilespmem:s2+$0xE0] =	vst.msk $0x1, v0;
	s2 =	sadd.s32 $0x1, s2  }
.LBB2_19:
0xf2: {  	s4 =	sadd.s32 $0x1, s4  }
0xf3: {  	p0 =	sne.s32 s4, $0x20  }
.Ltmp8:
0xf4: {  	_ = 	snop;
	(pc) =	sbr.rel @!p0 .LBB2_20-.Ltmp8, $1  }
0xf5: {  	_ =	sdelay $0x3  }
.LBB2_12:
0xf6: {  	v0 =	vld.msk [tilespmem:s4+$0xC0], $0x1;
	_ =	sdelay $0x4  }
0xf7: {  	(v2sf) =	vpush v0, $0x0;
	_ =	sdelay $0xe  }
0xf8: {  	s5 =	spop (v2sf)  }
0xf9: {  	p0 =	seq.s32 s5, $0xFFFFFFFF  }
.Ltmp9:
0xfa: {  	_ = 	snop;
	(pc) =	sbr.rel @p0 .LBB2_19-.Ltmp9, $1  }
0xfb: {  	_ =	sdelay $0x3  }
0xfc: {  	p0 =	slt.s32 s2, $0x1  }
.Ltmp10:
0xfd: {  	_ = 	snop;
	(pc) =	sbr.rel @p0 .LBB2_17-.Ltmp10, $1  }
0xfe: {  	_ =	sdelay $0x3  }
0xff: {  	s0 =	simm.s32 $0xC0;
	p0 =	por $0x0, $0x0  }
0x100: {  	v1 =	vld.msk @!p0 [tilespmem:s0+$0x0], $0x1;
	_ =	sdelay $0x4  }
0x101: {  	(v2sf) =	vpush @!p0 v1, $0x0;
	_ =	sdelay $0xd  }
0x102: {  	p2 =	sne.s32 s2, $0x1  }
.Ltmp11:
0x103: {  	s6 =	spop @!p0 (v2sf);
	(pc) =	sbr.rel @!p2 .LBB2_16-.Ltmp11, $4  }
0x104: {  	p1 =	seq.s32 @!p0 s5, s6  }
0x105: {  	s6 =	simm.s32 $0x0;
	p1 =	por !p1, p0  }
0x106: {  	s8 =	simm.s32 $0xFFFFFFFF;
	s6 =	simm.s32 @p1 $0xFFFFFFFF  }
0x107: {  	s7 =	simm.s32 $0x1;
	s6 =	smov.u32 @p0 s8  }
.LBB2_15:
0x108: {  	s8 =	smov.u32 s6;
	p0 =	sne.s32 s6, $0xFFFFFFFF  }
0x109: {  	s0 =	sadd.s32 $0x1, s0;
	s6 =	smov.u32 s7;
	s7 =	sadd.s32 $0x1, s7  }
0x10a: {  	p1 =	sne.s32 s2, s7;
	v1 =	vld.msk @!p0 [tilespmem:s0+$0x0], $0x1;
	_ =	sdelay $0x4  }
0x10b: {  	(v2sf) =	vpush @!p0 v1, $0x0;
	_ =	sdelay $0xe  }
.Ltmp12:
0x10c: {  	s9 =	spop @!p0 (v2sf);
	(pc) =	sbr.rel @p1 .LBB2_15-.Ltmp12, $4  }
0x10d: {  	p2 =	seq.s32 @!p0 s5, s9  }
0x10e: {  	p2 =	por !p2, p0  }
0x10f: {  	s6 =	simm.s32 @p2 $0xFFFFFFFF  }
0x110: {  	s6 =	smov.u32 @p0 s8  }
.LBB2_16:
0x111: {  	p0 =	sne.s32 s6, $0xFFFFFFFF  }
.Ltmp13:
0x112: {  	_ = 	snop;
	(pc) =	sbr.rel @!p0 .LBB2_17-.Ltmp13, $1  }
0x113: {  	_ =	sdelay $0x3  }
0x114: {  	v0 =	vld.msk [tilespmem:s4+$0xE0], $0x1;
	v1 =	vmov s6  }
.Ltmp14:
0x115: {  	_ = 	snop;
	(pc) =	sbr.rel .LBB2_19-.Ltmp14, $2  }
0x116: {  	_ =	sdelay $0x2  }
0x117: {  	[tilespmem:v1+s3+$0x0], v0 =	vst.idx.ret.add.f32.msk $0x1, v0  }
.LBB2_20:
0x118: {  	p0 =	slt.s32 s2, $0x1  }
.Ltmp15:
0x119: {  	_ = 	snop;
	(pc) =	sbr.rel @p0 .LBB2_24-.Ltmp15, $3  }
0x11a: {  	_ =	sdelay $0x1  }
0x11b: {  	s0 =	simm.s32 $0x6  }
0x11c: {  	s3 =	simm.s32 $0x0;
	[sflag:s0] =	ssyncpa.u1 $0x1  }
0x11d: {  	s0 =	simm.s32 $0xC0  }
0x11e: {  	v0 =	vld.msk [tilespmem:s0+$0x0], $0x1;
	_ =	sdelay $0x4  }
0x11f: {  	(v2sf) =	vpush v0, $0x0;
	_ =	sdelay $0xe  }
0x120: {  	s2 =	sadd.s32 $0xFFFFFFFF, s2;
	s4 =	spop (v2sf)  }
0x121: {  	p1 =	sne.s32 s2, $0x0;
	p0 =	sgt.u32 s4, $0x63FFFFF  }
.Ltmp16:
0x122: {  	s5 =	sshrl.u32 @!p0 s4, $0x3;
	(pc) =	sbr.rel @!p1 .LBB2_23-.Ltmp16, $4  }
0x123: {  	s0 =	simm.s32 $0xE0;
	s4 =	sand.u32 @!p0 $0x7, s4;
	s5 =	sadd.s32 @!p0 s1, s5  }
0x124: {  	[hbm4b:s5+s4] =	stream.linear.scatter @!p0 [tilespmem:s0], [sflag:$0x5], $0x1, $0x38;
	[tilespmem:$0x11A60] =	vst v63  }
0x125: {  	s5 =	simm.s32 $0x0  }
0x126: {  	s4 =	simm.s32 $0xC1;
	s5 =	simm.s32 @!p0 $0x4  }
.LBB2_22:
0x127: {  	v0 =	vld.msk [tilespmem:s4+$0x0], $0x1;
	s2 =	sadd.s32 $0xFFFFFFFF, s2;
	s3 =	sadd.s32 s3, s5  }
0x128: {  	p0 =	sne.s32 s2, $0x0;
	_ =	sdelay $0x3  }
0x129: {  	(v2sf) =	vpush v0, $0x0;
	_ =	sdelay $0xe  }
.Ltmp17:
0x12a: {  	s6 =	spop (v2sf);
	(pc) =	sbr.rel @p0 .LBB2_22-.Ltmp17, $4  }
0x12b: {  	s5 =	simm.s32 $0x0;
	p1 =	sgt.u32 s6, $0x63FFFFF  }
0x12c: {  	s0 =	sadd.s32 $0x1, s0;
	s5 =	simm.s32 @!p1 $0x4;
	s7 =	sshrl.u32 @!p1 s6, $0x3  }
0x12d: {  	s4 =	sadd.s32 $0x1, s4;
	s6 =	sand.u32 @!p1 $0x7, s6;
	s7 =	sadd.s32 @!p1 s1, s7  }
0x12e: {  	[hbm4b:s7+s6] =	stream.linear.scatter @!p1 [tilespmem:s0], [sflag:$0x5], $0x1, $0x38;
	[tilespmem:$0x11A60] =	vst v63  }
.LBB2_23:
0x12f: {  	s0 =	sadd.s32 s3, s5  }
0x130: {  	s3 =	sshrl.u32 s0, $0x2  }
.LBB2_24:
0x131: {  	s0 =	simm.s32 $0x5  }
0x132: {  	_ =	swait.ge [sflag:s0], s3  }
0x133: {  	s1 =	ssub.s32 $0x0, s3;
	[sflag:s0] =	ssyncset.done $0x0  }
0x134: {  	[sflag:s0] =	ssyncadd.s32 s1  }
0x135: {  	[sflag:s0] =	ssyncpa.u1 $0x1  }
0x136: {  	s29 =	simm.s32 $0x1;
	_ =	sfence  }
0x137: {  	s30 =	simm.s32 $0x2;
	[sflag:s29] =	ssyncpa.u1 $0x1  }
0x138: {  	[sflag:s30] =	ssyncpa.u1 $0x1  }
0x139: {  	_ =	strace $0x90000047  }
0x13a: {  	[bflag:$0x2] =	sbarrier.arrive $0xFFFF  }
0x13b: {  	s31 =	rddreg [dreg:$0x1]  }
0x13c: {  	s0 =	sadd.s32 $0x100000, s31  }
0x13d: {  	[sflag:s0] =	ssyncadd.tile.s32 $0x1;
	_ =	shalt  }
.Lfunc_end2:
_tile_overlayer_lowered:
.L_overlay_start_2:
0x13e: {  	(tag) =	ssettag $0x2  }
0x13f: {  	s0 =	rddreg [dreg:$0x0];
	s2 =	stileid.u32  }
0x140: {  	s1 =	rddreg [dreg:$0x1];
	p0 =	sne.s32 s2, $0x0  }
0x141: {  	s3 =	rddreg [dreg:$0x2];
	[bflag:$0x3] =	sbarrier.arrive $0xFFFF;
	s2 =	simm.s32 @!p0 $0x1C01  }
0x142: {  	[timem:s3], [sflag:s2] =	dma.local @!p0 [hbm:s0], s1  }
0x143: {  	s0 =	simm.s32 @!p0 $0x1  }
0x144: {  	_ =	swait.ge @!p0 [sflag:s0], s1  }
0x145: {  	s1 =	ssub.s32 @!p0 $0x0, s1;
	[sflag:s0] =	ssyncset.done @!p0 $0x0  }
0x146: {  	[sflag:s0] =	ssyncadd.s32 @!p0 s1  }
0x147: {  	[bflag:$0x3] =	sbarrier.arrive $0xFFFF  }
0x148: {  	_ =	shalt  }

// kernel: scatter_offload_async_start
scs
__scs_entry_jumppad:
0x0: {  	(pc) =	sbr.rel $0x88, $3  }
0x1: {  	(tag) =	ssettag $0x0;
	lr =	simm.s32 $0x1  }
0x2: {  	[smem:$0x3F82] =	sst lr;
	_ =	strace $0xD0000000  }
0x3: {  	_ = 	snop  }
0x4: {  	_ = 	snop  }
0x5: {  	_ = 	snop  }
0x6: {  	_ = 	snop  }
0x7: {  	_ = 	snop  }
__scs_overlays_trampoline_lowered:
0x8: {  	[smem:$0x3F91] =	sst s0  }
0x9: {  	[smem:$0x3F92] =	sst s1  }
0xa: {  	[smem:$0x3F93] =	sst s2  }
0xb: {  	[smem:$0x3F94] =	sst s3  }
0xc: {  	[smem:$0x3F95] =	sst s4  }
0xd: {  	[smem:$0x3F96] =	sst s5  }
0xe: {  	[smem:$0x3F97] =	sst s6  }
0xf: {  	[smem:$0x3F98] =	sst s7  }
0x10: {  	[smem:$0x3F99] =	sst s8  }
0x11: {  	[smem:$0x3F9A] =	sst s9;
	s0 =	simm.s32 @!p0 $0x0  }
0x12: {  	s1 =	sld [smem:$0x3F80];
	s0 =	simm.s32 @p0 $0x1  }
0x13: {  	[smem:$0x3F9B] =	sst s0;
	s0 =	simm.s32 @!p1 $0x0  }
0x14: {  	s2 =	sld [smem:$0x3F7F];
	s0 =	simm.s32 @p1 $0x1  }
0x15: {  	[smem:$0x3F9C] =	sst s0;
	s0 =	simm.s32 @!p2 $0x0  }
0x16: {  	s3 =	sld [smem:$0x3FDB];
	s0 =	simm.s32 @p2 $0x1  }
0x17: {  	s4 =	simm.s32 $0x1BF5;
	[smem:$0x3F9E] =	sst s0  }
0x18: {  	s0 =	sld [smem:$0x3F81];
	_ =	swait.ge [sflag:s4], $0x0  }
0x19: {  	s7 =	sld [smem:$0x3F82]  }
0x1a: {  	s8 =	sadd.s32 $0xFFFFE003, lr  }
0x1b: {  	s9 =	sadd.s32 $0xFFFFFEF7, lr;
	s5 =	simm.s32 $0xFFFFFFFF;
	p2 =	slt.u32 s8, $0xFFFFF086  }
0x1c: {  	p1 =	slt.u32 s9, $0xF7A;
	s5 =	simm.s32 @!p2 $0x0  }
0x1d: {  	s5 =	simm.s32 @p1 $0x1;
	p0 =	seq.s32 s7, s2  }
0x1e: {  	s7 =	smul.u32 @!p0 $0xF7A, s2;
	p2 =	seq.s32 @!p0 s5, $0x0  }
0x1f: {  	s9 =	smul.u32 $0xF7A, s1;
	s8 =	simm.s32 @!p0 $0x1BF5;
	p2 =	por !p2, p0  }
0x20: {  	[sflag:s8] =	ssyncset.s32 @!p0 $0xFFFFF086;
	s6 =	sadd.s32 @!p0 s3, s7;
	s7 =	simm.s32 @!p0 $0x108  }
0x21: {  	s3 =	sadd.s32 s3, s9;
	s6 =	sadd.s32 @!p0 $0x88, s6;
	s7 =	simm.s32 @p2 $0x1082  }
0x22: {  	[simem:s7], [sflag:s8] =	dma.local @!p0 [hbm:s6], $0xF7A  }
0x23: {  	s9 =	sor.u32 $0xD0000000, s2;
	s6 =	simm.s32 $0x108;
	_ =	swait.ge @!p0 [sflag:s8], $0x0  }
0x24: {  	s3 =	sadd.s32 $0x88, s3;
	s6 =	simm.s32 @!p1 $0x1082;
	[sflag:s4] =	ssyncset.s32 $0xFFFFF086  }
0x25: {  	[simem:s6], [sflag:s4] =	dma.local [hbm:s3], $0xF7A  }
0x26: {  	[smem:$0x3F82] =	sst s1;
	(tag) =	ssettag s2;
	_ =	strace s9  }
0x27: {  	s1 =	sld [smem:$0x3F92]  }
0x28: {  	s2 =	sld [smem:$0x3F93]  }
0x29: {  	s4 =	sld [smem:$0x3F95]  }
0x2a: {  	p0 =	seq.s32 s5, $0x0;
	s5 =	sld [smem:$0x3F96]  }
0x2b: {  	s6 =	sld [smem:$0x3F97]  }
0x2c: {  	s7 =	sld [smem:$0x3F98]  }
0x2d: {  	s3 =	simm.s32 $0x108;
	s8 =	sld [smem:$0x3F99]  }
0x2e: {  	s3 =	simm.s32 @!p0 $0x1082;
	s9 =	sld [smem:$0x3F9A]  }
0x2f: {  	lr =	sadd.s32 s0, s3;
	s0 =	sld [smem:$0x3F91]  }
0x30: {  	s3 =	sld [smem:$0x3F94]  }
0x31: {  	[smem:$0x3F9D] =	sst s10  }
0x32: {  	s10 =	sld [smem:$0x3F9B];
	_ =	sdelay $0x3  }
0x33: {  	p0 =	seq.s32 s10, $0x1;
	s10 =	sld [smem:$0x3F9D];
	_ =	sdelay $0x3  }
0x34: {  	[smem:$0x3F9D] =	sst s10  }
0x35: {  	s10 =	sld [smem:$0x3F9C];
	_ =	sdelay $0x3  }
0x36: {  	p1 =	seq.s32 s10, $0x1;
	s10 =	sld [smem:$0x3F9D];
	_ =	sdelay $0x3  }
0x37: {  	[smem:$0x3F9D] =	sst s10  }
0x38: {  	s10 =	sld [smem:$0x3F9E]  }
0x39: {  	_ = 	snop;
	(pc) =	sbr.ind lr, $3  }
0x3a: {  	_ = 	snop  }
0x3b: {  	_ = 	snop  }
0x3c: {  	p2 =	seq.s32 s10, $0x1;
	s10 =	sld [smem:$0x3F9D]  }
0x3d: {  	_ =	shalt  }
0x3e: {  	_ =	shalt  }
0x3f: {  	_ =	shalt  }
0x40: {  	_ =	shalt  }
0x41: {  	_ =	shalt  }
0x42: {  	_ =	shalt  }
0x43: {  	_ =	shalt  }
0x44: {  	_ =	shalt  }
0x45: {  	_ =	shalt  }
0x46: {  	_ =	shalt  }
0x47: {  	_ =	shalt  }
0x48: {  	_ =	shalt  }
0x49: {  	_ =	shalt  }
0x4a: {  	_ =	shalt  }
0x4b: {  	_ =	shalt  }
0x4c: {  	_ =	shalt  }
0x4d: {  	_ =	shalt  }
0x4e: {  	_ =	shalt  }
0x4f: {  	_ =	shalt  }
0x50: {  	_ =	shalt  }
0x51: {  	_ =	shalt  }
0x52: {  	_ =	shalt  }
0x53: {  	_ =	shalt  }
0x54: {  	_ =	shalt  }
0x55: {  	_ =	shalt  }
0x56: {  	_ =	shalt  }
0x57: {  	_ =	shalt  }
0x58: {  	_ =	shalt  }
0x59: {  	_ =	shalt  }
0x5a: {  	_ =	shalt  }
0x5b: {  	_ =	shalt  }
0x5c: {  	_ =	shalt  }
0x5d: {  	_ =	shalt  }
0x5e: {  	_ =	shalt  }
0x5f: {  	_ =	shalt  }
0x60: {  	_ =	shalt  }
0x61: {  	_ =	shalt  }
0x62: {  	_ =	shalt  }
0x63: {  	_ =	shalt  }
0x64: {  	_ =	shalt  }
0x65: {  	_ =	shalt  }
0x66: {  	_ =	shalt  }
0x67: {  	_ =	shalt  }
0x68: {  	_ =	shalt  }
0x69: {  	_ =	shalt  }
0x6a: {  	_ =	shalt  }
0x6b: {  	_ =	shalt  }
0x6c: {  	_ =	shalt  }
0x6d: {  	_ =	shalt  }
0x6e: {  	_ =	shalt  }
0x6f: {  	_ =	shalt  }
0x70: {  	_ =	shalt  }
0x71: {  	_ =	shalt  }
0x72: {  	_ =	shalt  }
0x73: {  	_ =	shalt  }
0x74: {  	_ =	shalt  }
0x75: {  	_ =	shalt  }
0x76: {  	_ =	shalt  }
0x77: {  	_ =	shalt  }
0x78: {  	_ =	shalt  }
0x79: {  	_ =	shalt  }
0x7a: {  	_ =	shalt  }
0x7b: {  	_ =	shalt  }
0x7c: {  	_ =	shalt  }
0x7d: {  	_ =	shalt  }
0x7e: {  	_ =	shalt  }
0x7f: {  	_ =	shalt  }
0x80: {  	_ =	shalt  }
0x81: {  	_ =	shalt  }
0x82: {  	_ =	shalt  }
0x83: {  	_ =	shalt  }
0x84: {  	_ =	shalt  }
0x85: {  	_ =	shalt  }
0x86: {  	_ =	shalt  }
0x87: {  	_ =	shalt  }
.Lfunc_end0:
.L_simem_size_0:
called_computation_lowered:
.L_overlay_start_0:
0x88: {  	s0 =	sld [smem:$0x3FD9]  }
0x89: {  	s1 =	sld [smem:$0x3FFE];
	_ =	sdelay $0x3  }
0x8a: {  	s0 =	sadd.s32 s1, s0  }
0x8b: {  	[smem:$0x3FA9] =	sst s0  }
0x8c: {  	_ = 	snop  }
0x8d: {  	(tm) =	ssettm $0x1  }
0x8e: {  	s14 =	sld [smem:$0x3FFB];
	_ =	sdelay $0x3  }
0x8f: {  	_ =	strace s14  }
0x90: {  	s0 =	sld [smem:$0x3FFC];
	_ =	sdelay $0x3  }
0x91: {  	_ =	strace s0  }
0x92: {  	s0 =	sld [smem:$0x3FFD];
	_ =	sdelay $0x3  }
0x93: {  	_ =	strace s0  }
0x94: {  	_ =	strace $0x8FFFFFFF  }
0x95: {  	s15 =	sld [smem:$0x3FDB];
	_ =	sdelay $0x1  }
0x96: {  	s16 =	simm.s32 $_scs_section_size  }
0x97: {  	s2 =	simm.s32 $_size__tile_overlayer_lowered;
	s3 =	simm.s32 $_tile_overlayer_lowered  }
0x98: {  	s4 =	simm.s32 $0x1BFF;
	s17 =	sshll.u32 s3, $0x1;
	s1 =	sadd.s32 s16, s15  }
0x99: {  	s18 =	simm.s32 $0x0;
	s2 =	sshll.u32 s2, $0x1;
	s3 =	sadd.s32 s17, s1  }
0x9a: {  	[timem:s18], [sflag:s4] =	dma.local [hbm:s3], s2  }
0x9b: {  	_ =	swait.ge [sflag:s4], s2  }
0x9c: {  	s2 =	ssub.s32 $0x0, s2;
	[sflag:s4] =	ssyncset.done $0x0  }
0x9d: {  	[sflag:s4] =	ssyncadd.s32 s2;
	_ =	sdelay $0x1  }
0x9e: {  	s19 =	simm.s32 $0x1B8B  }
0x9f: {  	_ =	swait.ge [sflag:s19], $0x1  }
0xa0: {  	[sflag:s19] =	ssyncset.done $0x0  }
0xa1: {  	s21 =	simm.s32 $0x1B8E;
	s20 =	sld [smem:$0x3FFE];
	[sflag:s19] =	ssyncadd.s32 $0xFFFFFFFF  }
0xa2: {  	s22 =	simm.s32 $execute0_lowered;
	[smem:$0x3FD2] =	sst s21  }
0xa3: {  	s3 =	sshll.u32 s22, $0x1;
	_ =	strace $0x80000049;
	[dreg:$0x1] =	wrdreg $0xFFFFFFFF  }
0xa4: {  	s23 =	simm.s32 $_size_execute0_lowered;
	s3 =	sadd.s32 s1, s3;
	[dreg:$0x0] =	wrdreg $0x0  }
0xa5: {  	s4 =	sshll.u32 s23, $0x1;
	[dreg:$0x2] =	wrdreg s3  }
0xa6: {  	[dreg:$0x3] =	wrdreg s4  }
0xa7: {  	[dreg:$0x4] =	wrdreg $0xC0  }
0xa8: {  	s24 =	simm.s32 $execute1_lowered;
	_ =	task [dreg:s18], $0x5FFFF  }
0xa9: {  	s3 =	sshll.u32 s24, $0x1;
	[dreg:$0x1] =	wrdreg $0xFFFFFFFF  }
0xaa: {  	s1 =	sadd.s32 s1, s3;
	[dreg:$0x0] =	wrdreg $0x60  }
0xab: {  	[dreg:$0x2] =	wrdreg s1  }
0xac: {  	[dreg:$0x3] =	wrdreg s20  }
0xad: {  	[dreg:$0x4] =	wrdreg $0x9  }
0xae: {  	_ =	task.clear_ibuf [dreg:s18], $0x5FFFF;
	_ =	strace $0x90000049  }
0xaf: {  	s25 =	simm.s32 $0x9;
	_ =	strace $0x8000004B  }
0xb0: {  	_ =	swait.ge [sflag:s25], $0x1  }
0xb1: {  	[sflag:s25] =	ssyncadd.s32 $0xFFFFFFFF  }
0xb2: {  	_ =	strace $0x9000004B  }
0xb3: {  	_ =	strace $0x8000004C;
	[dreg:$0x1] =	wrdreg $0xFFFFFFFF  }
0xb4: {  	[dreg:$0x0] =	wrdreg $0x2030  }
0xb5: {  	[dreg:$0x2] =	wrdreg s20  }
0xb6: {  	[dreg:$0x3] =	wrdreg $0xA  }
0xb7: {  	_ =	task.clear_ibuf [dreg:s18], $0x4FFFF;
	_ =	strace $0x9000004C  }
0xb8: {  	s26 =	simm.s32 $0xA;
	_ =	strace $0x8000004E  }
0xb9: {  	_ =	swait.ge [sflag:s26], $0x1  }
0xba: {  	[sflag:s26] =	ssyncadd.s32 $0xFFFFFFFF  }
0xbb: {  	_ =	strace $0x9000004E  }
0xbc: {  	_ =	sfence  }
0xbd: {  	s28 =	sld [smem:$0x0];
	_ =	sdelay $0x1  }
0xbe: {  	s29 =	srdreg.scid  }
0xbf: {  	s30 =	sshll.u32 s29, $0xD;
	s31 =	sshrl.u32 s29, $0x2  }
0xc0: {  	s2 =	sand.u32 $0x1, s29;
	s3 =	sand.u32 $0x4000, s30;
	s1 =	sadd.s32 s31, s28  }
0xc1: {  	s2 =	sor.u32 s3, s2;
	s1 =	sshll.u32 s1, $0x11  }
0xc2: {  	s1 =	sor.u32 s1, s2  }
0xc3: {  	s1 =	sadd.s32 $0x8F2B, s1  }
0xc4: {  	[sflag:s1] =	ssyncadd.remote.s32 $0x1  }
0xc5: {  	_ =	sfence.sel $0xFFFF  }
0xc6: {  	[dreg:$0x0] =	wrdreg $0xFFFFFFFF;
	(pc) =	sbr.abs _section_cstart, $3  }
0xc7: {  	[dreg:$0x1] =	wrdreg $0xFFFFFFFF  }
0xc8: {  	_ =	task.clear_ibuf [dreg:s18], $0x2FFFF;
	_ =	strace $0x9FFFFFFF  }
0xc9: {  	(tm) =	ssettm $0x7FFFFFFF  }
tec
execute0_lowered:
.L_overlay_start_1:
0x0: {  	(tag) =	ssettag $0x1  }
0x1: {  	s3 =	rddreg [dreg:$0x0]  }
0x2: {  	s6 =	rddreg [dreg:$0x1]  }
0x3: {  	s0 =	rddreg [dreg:$0x2]  }
0x4: {  	s2 =	stileid.u32;
	[bflag:$0x3] =	sbarrier.arrive $0xFFFF;
	s1 =	simm.s32 $_size_execute1_lowered  }
0x5: {  	p0 =	sne.s32 s2, $0x0;
	s1 =	sshll.u32 s1, $0x1;
	s31 =	sshll.u32 s2, $0x3  }
0x6: {  	s4 =	simm.s32 @!p0 $0x1C3F;
	s5 =	simm.s32 @!p0 $0x4060;
	s7 =	ssub.s32 $0x40, s31  }
0x7: {  	[timem:s5], [sflag:s4] =	dma.local @!p0 [hbm:s3], s1  }
0x8: {  	p1 =	sgt.s32 s7, $0x0  }
0x9: {  	s7 =	simm.s32 @!p1 $0x0  }
0xa: {  	s7 =	sand.u32 $0x78, s7  }
0xb: {  	s10 =	simm.s32 $0x3;
	p1 =	sne.s32 s7, $0x0  }
0xc: {  	s10 =	simm.s32 @!p1 $0x2  }
0xd: {  	p3 =	sne.s32 s10, $0x1  }
.Ltmp0:
0xe: {  	s9 =	simm.s32 $0x0;
	s8 =	simm.s32 $0x1;
	(pc) =	sbr.rel @!p3 .LBB2_1-.Ltmp0, $4  }
0xf: {  	s13 =	simm.s32 $0xFFFFFFFF;
	s3 =	simm.s32 $0x1;
	s4 =	simm.s32 $0x2  }
0x10: {  	s5 =	sadd.s32 $0x200, s6;
	_ =	strace $0x8000004A;
	s7 =	simm.s32 $0x1  }
0x11: {  	s6 =	sadd.s32 s2, s6;
	[sflag:s3] =	ssyncpa.u1 $0x0;
	s7 =	simm.s32 @!p1 $0x0  }
0x12: {  	[sflag:s4] =	ssyncpa.u1 $0x0;
	p1 =	por $0x0, $0x0;
	p2 =	sle.u32 s7, $0x0  }
0x13: {  	p1 =	sle.u32 s7, $0xFFFFFFFF  }
0x14: {  	s11 =	simm.s32 @!p2 $0x8;
	s12 =	simm.s32 @!p2 $0x0;
	s13 =	simm.s32 @!p1 $0x1  }
0x15: {  	[tilespmem:s11], [sflag:$0x1] =	stream.linear.gather @!p2 [hbm4b:s6+s12], $0x8, $0x38;
	[tilespmem:$0x20] =	vst v63  }
0x16: {  	_ =	swait.ge @!p1 [sflag:s13], $0x8  }
0x17: {  	[sflag:s13] =	ssyncset.done @!p1 $0x0  }
0x18: {  	s9 =	sand.u32 @!p1 $0x8, s9;
	[sflag:s13] =	ssyncadd.s32 @!p1 $0xFFFFFFF8  }
0x19: {  	v0 =	vld.msk @!p1 [tilespmem:s9+$0x0], $0xff;
	_ =	sdelay $0x2  }
0x1a: {  	p4 =	sne.s32 s10, $0x2  }
.Ltmp1:
0x1b: {  	p3 =	por $0x1, $0x1;
	s9 =	sor.u32 @!p1 $0x10, s9;
	(pc) =	sbr.rel @!p4 .LBB2_4-.Ltmp1, $4  }
0x1c: {  	s11 =	simm.s32 $0x2;
	s12 =	sadd.s32 @!p1 s5, s2;
	s13 =	simm.s32 @!p1 $0x0;
	[tilespmem:s9+$0x0] =	vst.msk @!p1 $0xff, v0  }
0x1d: {  	[hbm4b:s12+s13] =	stream.linear.scatter @!p1 [tilespmem:s9], [sflag:$0x2], $0x8, $0x38;
	[tilespmem:$0x20] =	vst v63  }
0x1e: {  	p2 =	sle.u32 s7, $0x1;
	s12 =	simm.s32 @!p3 $0x2;
	s9 =	simm.s32 $0x8  }
0x1f: {  	s13 =	simm.s32 $0x0;
	p1 =	por $0x1, $0x1;
	_ =	swait.ge @!p3 [sflag:s12], $0x8  }
.LBB2_3:
0x20: {  	s14 =	simm.s32 @!p2 $0x8;
	p4 =	sge.u32 s13, s7;
	[sflag:s12] =	ssyncset.done @!p3 $0x0  }
0x21: {  	s13 =	simm.s32 @!p2 $0x0;
	s15 =	simm.s32 @!p4 $0x1;
	[sflag:s12] =	ssyncadd.s32 @!p3 $0xFFFFFFF8  }
0x22: {  	[tilespmem:s14], [sflag:$0x1] =	stream.linear.gather @!p2 [hbm4b:s6+s13], $0x8, $0x38;
	[tilespmem:$0x20] =	vst v63  }
0x23: {  	s13 =	smov.u32 s11;
	s11 =	sadd.s32 $0x1, s11;
	_ =	swait.ge @!p4 [sflag:s15], $0x8  }
0x24: {  	s12 =	sand.u32 @!p4 $0x8, s9;
	p5 =	sne.s32 s11, s10;
	[sflag:s15] =	ssyncset.done @!p4 $0x0  }
0x25: {  	[sflag:s15] =	ssyncadd.s32 @!p4 $0xFFFFFFF8  }
0x26: {  	v0 =	vld.msk @!p4 [tilespmem:s12+$0x0], $0xff;
	_ =	sdelay $0x2  }
.Ltmp2:
0x27: {  	s14 =	sor.u32 @!p4 $0x10, s12;
	(pc) =	sbr.rel @p5 .LBB2_3-.Ltmp2, $4  }
0x28: {  	s16 =	simm.s32 @!p4 $0x0;
	p3 =	slt.u32 s8, $0x2;
	s15 =	sadd.s32 @!p4 s5, s2  }
0x29: {  	s9 =	sadd.s32 $0x8, s9;
	s8 =	smov.u32 s13;
	s12 =	simm.s32 @!p3 $0x2;
	[tilespmem:s14+$0x0] =	vst.msk @!p4 $0xff, v0  }
0x2a: {  	[hbm4b:s15+s16] =	stream.linear.scatter @!p4 [tilespmem:s14], [sflag:$0x2], $0x8, $0x38;
	[tilespmem:$0x20] =	vst v63  }
0x2b: {  	p2 =	sge.u32 s8, s7;
	s13 =	sadd.s32 $0xFFFFFFFF, s8;
	_ =	swait.ge @!p3 [sflag:s12], $0x8  }
.LBB2_4:
0x2c: {  	p3 =	por p3, !p1  }
0x2d: {  	s10 =	simm.s32 @!p2 $0x8;
	p1 =	sge.u32 s13, s7;
	[sflag:s12] =	ssyncset.done @!p3 $0x0  }
0x2e: {  	s7 =	simm.s32 @!p2 $0x0;
	s11 =	simm.s32 @!p1 $0x1;
	[sflag:s12] =	ssyncadd.s32 @!p3 $0xFFFFFFF8  }
0x2f: {  	[tilespmem:s10], [sflag:$0x1] =	stream.linear.gather @!p2 [hbm4b:s6+s7], $0x8, $0x38;
	[tilespmem:$0x20] =	vst v63  }
0x30: {  	_ =	swait.ge @!p1 [sflag:s11], $0x8  }
0x31: {  	[sflag:s11] =	ssyncset.done @!p1 $0x0  }
0x32: {  	s6 =	sand.u32 @!p1 $0x8, s9;
	[sflag:s11] =	ssyncadd.s32 @!p1 $0xFFFFFFF8  }
0x33: {  	v0 =	vld.msk @!p1 [tilespmem:s6+$0x0], $0xff;
	_ =	sdelay $0x3  }
0x34: {  	p2 =	slt.u32 s8, $0x2;
	s6 =	sor.u32 @!p1 $0x10, s6  }
0x35: {  	s2 =	sadd.s32 @!p1 s5, s2;
	s5 =	simm.s32 @!p1 $0x0;
	s7 =	simm.s32 @!p2 $0x2;
	[tilespmem:s6+$0x0] =	vst.msk @!p1 $0xff, v0  }
0x36: {  	[hbm4b:s2+s5] =	stream.linear.scatter @!p1 [tilespmem:s6], [sflag:$0x2], $0x8, $0x38;
	[tilespmem:$0x20] =	vst v63  }
0x37: {  	_ =	swait.ge @!p2 [sflag:s7], $0x8  }
0x38: {  	[sflag:s7] =	ssyncset.done @!p2 $0x0  }
0x39: {  	[sflag:s7] =	ssyncadd.s32 @!p2 $0xFFFFFFF8  }
0x3a: {  	_ =	sfence.sel $0x180000  }
0x3b: {  	[bflag:$0x0] =	sbarrier.arrive $0xFFFF  }
0x3c: {  	[sflag:s3] =	ssyncpa.u1 $0x1  }
0x3d: {  	[sflag:s4] =	ssyncpa.u1 $0x1  }
0x3e: {  	_ =	strace $0x9000004A  }
0x3f: {  	s0 =	sadd.s32 @!p0 $0x100000, s0;
	[bflag:$0x2] =	sbarrier.arrive $0xFFFF  }
0x40: {  	[sflag:s0] =	ssyncadd.tile.s32 @!p0 $0x1;
	s0 =	simm.s32 @!p0 $0x3F  }
0x41: {  	_ =	swait.ge @!p0 [sflag:s0], s1  }
0x42: {  	s1 =	ssub.s32 @!p0 $0x0, s1;
	[sflag:s0] =	ssyncset.done @!p0 $0x0  }
0x43: {  	[sflag:s0] =	ssyncadd.s32 @!p0 s1  }
0x44: {  	[bflag:$0x3] =	sbarrier.arrive $0xFFFF  }
0x45: {  	_ =	shalt  }
.LBB2_1:
.Ltmp3:
0x46: {  	(pc) =	sbr.rel .LBB2_4-.Ltmp3, $2  }
0x47: {  	_ =	sdelay $0x2  }
0x48: {  	s8 =	simm.s32 $0x0  }
.Lfunc_end2:
execute1_lowered:
.L_overlay_start_2:
0x49: {  	(tag) =	ssettag $0x2  }
0x4a: {  	s2 =	rddreg [dreg:$0x0]  }
0x4b: {  	s0 =	rddreg [dreg:$0x1];
	_ =	strace $0x8000004D;
	s3 =	stileid.u32  }
0x4c: {  	s4 =	simm.s32 $0x3E;
	s1 =	sadd.s32 $0x200, s2;
	p0 =	sne.s32 s3, $0x0  }
0x4d: {  	[sflag:s4] =	ssyncpa.u1 $0x0;
	s5 =	simm.s32 @!p0 $0x1C3E;
	s6 =	simm.s32 @!p0 $0x0  }
0x4e: {  	[spmem:s6], [sflag:s5] =	dma.local @!p0 [hbm:s1], $0x10  }
0x4f: {  	s5 =	simm.s32 @!p0 $0x3E  }
0x50: {  	_ =	swait.ge @!p0 [sflag:s5], $0x10  }
0x51: {  	[sflag:s5] =	ssyncset.done @!p0 $0x0  }
0x52: {  	s26 =	simm.s32 $0x1;
	[sflag:s5] =	ssyncadd.s32 @!p0 $0xFFFFFFF0  }
0x53: {  	s28 =	simm.s32 $0x2;
	s7 =	simm.s32 $0x288;
	[bflag:$0x0] =	sbarrier.arrive $0xFFFF  }
0x54: {  	s3 =	smul.u32 $0x50, s3;
	s29 =	sadd.s32 $0xB9000, s2;
	[sflag:s4] =	ssyncpa.u1 $0x1  }
0x55: {  	s30 =	sadd.s32 $0xA5A00, s2;
	s2 =	simm.s32 $0x0;
	[sflag:s26] =	ssyncpa.u1 $0x0  }
0x56: {  	s5 =	sadd.s32 s29, s3;
	(ifvalue) =	ssetifvalue $0x80;
	[sflag:s28] =	ssyncpa.u1 $0x0  }
0x57: {  	[tilespmem:s7], [sflag:$0x2] =	stream.linear.gather [hbm4b:s5+s2], $0x280, $0x38;
	[tilespmem:$0xA08] =	vst v63  }
0x58: {  	s31 =	sadd.s32 s30, s3;
	s3 =	simm.s32 $0x788  }
0x59: {  	[tilespmem:s3], [sflag:$0x2] =	stream.linear.gather [hbm4b:s31+s2], $0x280, $0x38;
	[tilespmem:$0xA08] =	vst v63  }
0x5a: {  	_ =	swait.ge [sflag:s28], $0x500  }
0x5b: {  	[sflag:s28] =	ssyncset.done $0x0  }
0x5c: {  	[sflag:s28] =	ssyncadd.s32 $0xFFFFFB00  }
0x5d: {  	v0 =	vld.msk [tilespmem:s7+$0x0 ss:$0x1], $0xffff;
	_ =	sdelay $0x4  }
0x5e: {  	v0 =	vmin.u32 v0, $0x80;
	_ =	sdelay $0x3  }
0x5f: {  	vm0 =	vmmov $0xffff;
	s4 =	simm.s32 $0x0;
	s5 =	simm.s32 $0x298  }
0x60: {  	[spmem:s2] =	stream.indirect_vreg.scatter.add.s32 [tilespmem:s3], [sflag:$0x1], $0x1, v0, vm0, $0x4038;
	[tilespmem:$0xA08] =	vst v63  }
.LBB3_1:
0x61: {  	v0 =	vld.msk [tilespmem:s5+$0x0 ss:$0x1], $0xffff;
	s4 =	sadd.s32 $0x10, s4  }
0x62: {  	p1 =	slt.u32 s4, $0x270;
	_ =	sdelay $0x4  }
0x63: {  	v0 =	vmin.u32 v0, $0x80  }
.Ltmp4:
0x64: {  	(pc) =	sbr.rel @p1 .LBB3_1-.Ltmp4, $3  }
0x65: {  	_ =	sdelay $0x1  }
0x66: {  	s5 =	sadd.s32 $0x10, s5;
	s3 =	sadd.s32 $0x10, s3  }
0x67: {  	[spmem:s2] =	stream.indirect_vreg.scatter.add.s32 [tilespmem:s3], [sflag:$0x1], $0x1, v0, vm0, $0x4038;
	[tilespmem:$0xA08] =	vst v63  }
0x68: {  	s2 =	simm.s32 $0x1  }
0x69: {  	_ =	swait.ge [sflag:s2], $0x280  }
0x6a: {  	[sflag:s2] =	ssyncset.done $0x0  }
0x6b: {  	[sflag:s2] =	ssyncadd.s32 $0xFFFFFD80  }
0x6c: {  	_ =	sfence.sel $0x180000  }
0x6d: {  	s3 =	simm.s32 $0x2;
	[bflag:$0x0] =	sbarrier.arrive $0xFFFF  }
0x6e: {  	[sflag:s3] =	ssyncpa.u1 $0x1  }
0x6f: {  	[sflag:s2] =	ssyncpa.u1 $0x1  }
0x70: {  	_ =	sfence.stream.spmem  }
0x71: {  	s31 =	simm.s32 $0x3D;
	[bflag:$0x0] =	sbarrier.arrive $0xFFFF  }
0x72: {  	s2 =	simm.s32 @p0 $0x3D;
	[sflag:s31] =	ssyncpa.u1 $0x0  }
0x73: {  	[sflag:s2] =	ssyncpa.u1 @p0 $0x1  }
0x74: {  	[bflag:$0x0] =	sbarrier.arrive @p0 $0xFFFF  }
0x75: {  	_ =	strace @p0 $0x9000004D  }
0x76: {  	s3 =	simm.s32 @!p0 $0x1C3D;
	s2 =	simm.s32 @!p0 $0x0;
	[bflag:$0x2] =	sbarrier.arrive @p0 $0xFFFF  }
0x77: {  	[hbm:s1], [sflag:s3] =	dma.local @!p0 [spmem:s2], $0x10  }
0x78: {  	s1 =	simm.s32 @!p0 $0x3D  }
0x79: {  	_ =	swait.ge @!p0 [sflag:s1], $0x10  }
0x7a: {  	[sflag:s1] =	ssyncset.done @!p0 $0x0  }
0x7b: {  	[sflag:s1] =	ssyncadd.s32 @!p0 $0xFFFFFFF0  }
0x7c: {  	[sflag:s1] =	ssyncpa.u1 @!p0 $0x1  }
0x7d: {  	[bflag:$0x0] =	sbarrier.arrive @!p0 $0xFFFF  }
0x7e: {  	_ =	strace @!p0 $0x9000004D  }
0x7f: {  	s0 =	sadd.s32 @!p0 $0x100000, s0;
	[bflag:$0x2] =	sbarrier.arrive @!p0 $0xFFFF  }
0x80: {  	[sflag:s0] =	ssyncadd.tile.s32 @!p0 $0x1;
	_ =	shalt  }
.Lfunc_end3:
_tile_overlayer_lowered:
.L_overlay_start_3:
0x81: {  	(tag) =	ssettag $0x3  }
0x82: {  	s0 =	rddreg [dreg:$0x0];
	s2 =	stileid.u32  }
0x83: {  	s1 =	rddreg [dreg:$0x1];
	p0 =	sne.s32 s2, $0x0  }
0x84: {  	s3 =	rddreg [dreg:$0x2];
	[bflag:$0x3] =	sbarrier.arrive $0xFFFF;
	s2 =	simm.s32 @!p0 $0x1C01  }
0x85: {  	[timem:s3], [sflag:s2] =	dma.local @!p0 [hbm:s0], s1  }
0x86: {  	s0 =	simm.s32 @!p0 $0x1  }
0x87: {  	_ =	swait.ge @!p0 [sflag:s0], s1  }
0x88: {  	s1 =	ssub.s32 @!p0 $0x0, s1;
	[sflag:s0] =	ssyncset.done @!p0 $0x0  }
0x89: {  	[sflag:s0] =	ssyncadd.s32 @!p0 s1  }
0x8a: {  	[bflag:$0x3] =	sbarrier.arrive $0xFFFF  }
0x8b: {  	_ =	shalt  }

</sc_bundles>
